<compile_context>
chip_gen: v7x
topology: tpu7x:2x2x1
jax: 0.10.2.dev20260603
libtpu: 0.0.44.dev20260713+nightly
codegen_flags: <defaults>
</compile_context>

<pallas_src>
import dataclasses
import functools

import jax
import jax.numpy as jnp
from jax import lax
from jax.experimental import pallas as pl
from jax.experimental.pallas import tpu as pltpu
from jax.experimental.pallas import tpu_sc as plsc

N = 10000
E = 320000
D = 128
G = 16
NTILES = 32
CHUNK = 128
CPT = 79
EPAD = NTILES * CPT * CHUNK
NPAD = 10240
ROWS_PER_TILE = NPAD // 16
ZCH = ROWS_PER_TILE // CHUNK
VECS = CHUNK // 16

BLK = 400
NBLK = N // BLK


def _sc_aggregate(h, edges, with_cnt):
    mesh = plsc.VectorSubcoreMesh(core_axis_name="c", subcore_axis_name="s")

    out_type = [jax.ShapeDtypeStruct((2, NPAD, D), jnp.float32)]
    scratch = [
        pltpu.VMEM((CPT, 2, CHUNK), jnp.int32),
        pltpu.VMEM((CHUNK, D), jnp.float32),
        pltpu.VMEM_SHARED((NPAD, D), jnp.float32),
        pltpu.SemaphoreType.DMA,
    ]
    if with_cnt:
        out_type.append(jax.ShapeDtypeStruct((NTILES * NPAD,), jnp.float32))
        scratch.append(pltpu.VMEM((NPAD,), jnp.float32))

    cp = pltpu.CompilerParams()
    if "needs_layout_passes" in pltpu.CompilerParams.__dataclass_fields__:
        cp = dataclasses.replace(cp, needs_layout_passes=False)

    @functools.partial(
        pl.kernel, out_type=out_type, mesh=mesh, scratch_types=scratch,
        compiler_params=cp,
    )
    def agg_kernel(h_hbm, e_hbm, out_hbm, *rest):
        if with_cnt:
            cnt_hbm = rest[0]
            rest = rest[1:]
        idx_v = rest[0]
        rows_v = rest[1]
        acc = rest[2]
        sem = rest[3]
        if with_cnt:
            cnt_v = rest[4]
        c = lax.axis_index("c")
        s = lax.axis_index("s")
        wid = c * 16 + s
        base = s * ROWS_PER_TILE

        fetch = pltpu.async_copy(e_hbm.at[wid], idx_v, sem)

        @pl.loop(0, CHUNK)
        def _(i):
            @pl.loop(0, D, step=16)
            def _(j):
                rows_v[i, pl.ds(j, 16)] = jnp.zeros((16,), jnp.float32)

        if with_cnt:
            @pl.loop(0, NPAD, step=16)
            def _(i):
                cnt_v[pl.ds(i, 16)] = jnp.zeros((16,), jnp.float32)

        for z in range(ZCH):
            pltpu.sync_copy(rows_v, acc.at[pl.ds(base + z * CHUNK, CHUNK)])
        fetch.wait()
        plsc.subcore_barrier()

        @pl.loop(0, CPT)
        def _(j):
            gather = pltpu.async_copy(h_hbm.at[idx_v.at[j, 0]], rows_v, sem)
            if with_cnt:
                for k in range(VECS):
                    ids = idx_v[j, 1, pl.ds(k * 16, 16)]
                    run, last = plsc.scan_count(ids)
                    plsc.addupdate_scatter(
                        cnt_v, [ids], run.astype(jnp.float32), mask=last)
            gather.wait()
            pltpu.sync_copy(rows_v, acc.at[idx_v.at[j, 1]], add=True)

        plsc.subcore_barrier()
        for z in range(ZCH):
            r0 = base + z * CHUNK
            pltpu.sync_copy(acc.at[pl.ds(r0, CHUNK)], out_hbm.at[c].at[pl.ds(r0, CHUNK)])
        if with_cnt:
            pltpu.sync_copy(cnt_v, cnt_hbm.at[pl.ds(wid * NPAD, NPAD)])

    return agg_kernel(h, edges)


def _tc_embed(x, w0t, b0r):
    def body(x_ref, w_ref, b_ref, o_ref):
        y = jnp.dot(x_ref[...], w_ref[...], preferred_element_type=jnp.float32)
        o_ref[...] = jnp.maximum(y + b_ref[...], 0.0)

    return pl.pallas_call(
        body,
        grid=(NBLK,),
        in_specs=[
            pl.BlockSpec((BLK, D), lambda i: (i, 0)),
            pl.BlockSpec((D, D), lambda i: (0, 0)),
            pl.BlockSpec((1, D), lambda i: (0, 0)),
        ],
        out_specs=pl.BlockSpec((BLK, D), lambda i: (i, 0)),
        out_shape=jax.ShapeDtypeStruct((N, D), jnp.float32),
    )(x, w0t, b0r)


def _tc_conv(acc, cnt2d, h, wlt, wrt, blr):
    def body(a_ref, c_ref, h_ref, wl_ref, wr_ref, b_ref, o_ref):
        cnt = jnp.sum(c_ref[:, 0, 0, :], axis=0).reshape(BLK, 1)
        agg = (a_ref[0] + a_ref[1]) / jnp.maximum(cnt, 1.0)
        y = jnp.dot(agg, wl_ref[...], preferred_element_type=jnp.float32)
        y = y + jnp.dot(h_ref[...], wr_ref[...], preferred_element_type=jnp.float32)
        o_ref[...] = jnp.maximum(y + b_ref[...], 0.0)

    return pl.pallas_call(
        body,
        grid=(NBLK,),
        in_specs=[
            pl.BlockSpec((2, BLK, D), lambda i: (0, i, 0)),
            pl.BlockSpec((NTILES, 1, 1, BLK), lambda i: (0, i, 0, 0)),
            pl.BlockSpec((BLK, D), lambda i: (i, 0)),
            pl.BlockSpec((D, D), lambda i: (0, 0)),
            pl.BlockSpec((D, D), lambda i: (0, 0)),
            pl.BlockSpec((1, D), lambda i: (0, 0)),
        ],
        out_specs=pl.BlockSpec((BLK, D), lambda i: (i, 0)),
        out_shape=jax.ShapeDtypeStruct((N, D), jnp.float32),
    )(acc, cnt2d, h, wlt, wrt, blr)


def _tc_pool(h, batch3d, w1t, b1r):
    def body(h_ref, b_ref, w_ref, bias_ref, o_ref, ps, pc):
        i = pl.program_id(0)

        @pl.when(i == 0)
        def _():
            ps[...] = jnp.zeros((G, D), jnp.float32)
            pc[...] = jnp.zeros((G, 1), jnp.float32)

        ids = b_ref[0, 0]
        gids = lax.broadcasted_iota(jnp.int32, (G, BLK), 0)
        mask = (gids == ids[None, :]).astype(jnp.float32)
        ps[...] += jnp.dot(mask, h_ref[...], preferred_element_type=jnp.float32)
        pc[...] += jnp.sum(mask, axis=1, keepdims=True)

        @pl.when(i == NBLK - 1)
        def _():
            pooled = ps[...] / jnp.maximum(pc[...], 1.0)
            o_ref[...] = jnp.dot(pooled, w_ref[...],
                                 preferred_element_type=jnp.float32) + bias_ref[...]

    return pl.pallas_call(
        body,
        grid=(NBLK,),
        in_specs=[
            pl.BlockSpec((BLK, D), lambda i: (i, 0)),
            pl.BlockSpec((1, 1, BLK), lambda i: (i, 0, 0)),
            pl.BlockSpec((D, D), lambda i: (0, 0)),
            pl.BlockSpec((1, D), lambda i: (0, 0)),
        ],
        out_specs=pl.BlockSpec((G, D), lambda i: (0, 0)),
        out_shape=jax.ShapeDtypeStruct((G, D), jnp.float32),
        scratch_shapes=[
            pltpu.VMEM((G, D), jnp.float32),
            pltpu.VMEM((G, 1), jnp.float32),
        ],
    )(h, batch3d, w1t, b1r)


def kernel(x, edge_index, edge_attr, batch,
           lin0_w, lin0_b,
           conv1_wl, conv1_bl, conv1_wr,
           conv2_wl, conv2_bl, conv2_wr,
           lin1_w, lin1_b):
    pad = EPAD - E
    srcs = jnp.concatenate([edge_index[0], jnp.zeros((pad,), jnp.int32)])
    dsts = jnp.concatenate([edge_index[1], jnp.full((pad,), N, jnp.int32)])
    edges = jnp.stack([srcs.reshape(NTILES, CPT, CHUNK),
                       dsts.reshape(NTILES, CPT, CHUNK)], axis=2)

    h0 = _tc_embed(x, lin0_w.T, lin0_b.reshape(1, D))
    acc1, cnt = _sc_aggregate(h0, edges, with_cnt=True)
    cnt2d = cnt.reshape(NTILES, NPAD)[:, :N].reshape(NTILES, NBLK, 1, BLK)
    h1 = _tc_conv(acc1, cnt2d, h0, conv1_wl.T, conv1_wr.T, conv1_bl.reshape(1, D))
    (acc2,) = _sc_aggregate(h1, edges, with_cnt=False)
    h2 = _tc_conv(acc2, cnt2d, h1, conv2_wl.T, conv2_wr.T, conv2_bl.reshape(1, D))

    batch3d = batch.reshape(NBLK, 1, BLK)
    return _tc_pool(h2, batch3d, lin1_w.T, lin1_b.reshape(1, D))

# --- scband reference (transcript-rebuilt; emitter-appended) ---
"""Pipeline reference for scband-sagere-lu-53197464928902 (READ-ONLY COPY).

The authoritative reference and input builder live on the scoring server;
editing this copy changes nothing except your own understanding.
"""

import jax, jax.numpy as jnp
import numpy as np

N = 10000
E = 320000
D = 128
H = 128
G = 16


def setup_inputs(seed: int = 0) -> dict:
    key = jax.random.key(seed)
    ks = jax.random.split(key, 16)
    x = jax.random.normal(ks[0], (N, D), dtype=jnp.float32)
    edge_index = jax.random.randint(ks[1], (2, E), 0, N, dtype=jnp.int32)
    edge_attr = jax.random.normal(ks[2], (E, 4), dtype=jnp.float32)
    batch = jnp.sort(jax.random.randint(ks[3], (N,), 0, G, dtype=jnp.int32))
    s_d = 1.0 / np.sqrt(D)
    s_h = 1.0 / np.sqrt(H)
    lin0_w = jax.random.uniform(ks[4], (H, D), minval=-s_d, maxval=s_d, dtype=jnp.float32)
    lin0_b = jax.random.uniform(ks[5], (H,), minval=-s_d, maxval=s_d, dtype=jnp.float32)
    conv1_wl = jax.random.uniform(ks[6], (H, H), minval=-s_h, maxval=s_h, dtype=jnp.float32)
    conv1_bl = jax.random.uniform(ks[7], (H,), minval=-s_h, maxval=s_h, dtype=jnp.float32)
    conv1_wr = jax.random.uniform(ks[8], (H, H), minval=-s_h, maxval=s_h, dtype=jnp.float32)
    conv2_wl = jax.random.uniform(ks[9], (H, H), minval=-s_h, maxval=s_h, dtype=jnp.float32)
    conv2_bl = jax.random.uniform(ks[10], (H,), minval=-s_h, maxval=s_h, dtype=jnp.float32)
    conv2_wr = jax.random.uniform(ks[11], (H, H), minval=-s_h, maxval=s_h, dtype=jnp.float32)
    lin1_w = jax.random.uniform(ks[12], (H, H), minval=-s_h, maxval=s_h, dtype=jnp.float32)
    lin1_b = jax.random.uniform(ks[13], (H,), minval=-s_h, maxval=s_h, dtype=jnp.float32)
    return {
        "x": x, "edge_index": edge_index, "edge_attr": edge_attr, "batch": batch,
        "lin0_w": lin0_w, "lin0_b": lin0_b,
        "conv1_wl": conv1_wl, "conv1_bl": conv1_bl, "conv1_wr": conv1_wr,
        "conv2_wl": conv2_wl, "conv2_bl": conv2_bl, "conv2_wr": conv2_wr,
        "lin1_w": lin1_w, "lin1_b": lin1_b,
    }


def reference(x, edge_index, edge_attr, batch,
              lin0_w, lin0_b,
              conv1_wl, conv1_bl, conv1_wr,
              conv2_wl, conv2_bl, conv2_wr,
              lin1_w, lin1_b):
    # x = self.lins[0](x).relu()
    h = jax.nn.relu(x @ lin0_w.T + lin0_b)
    src = edge_index[0]
    dst = edge_index[1]
    # in-degree counts for mean aggregation (shared across layers)
    cnt = jax.ops.segment_sum(jnp.ones((E, 1), dtype=jnp.float32), dst, num_segments=N)
    cnt = jnp.maximum(cnt, 1.0)
    for wl, bl, wr in ((conv1_wl, conv1_bl, conv1_wr), (conv2_wl, conv2_bl, conv2_wr)):
        # SAGEConv: mean-aggregate neighbor features, then lin_l(aggr) + lin_r(x)
        msg = h[src]
        agg = jax.ops.segment_sum(msg, dst, num_segments=N) / cnt
        h = jax.nn.relu(agg @ wl.T + bl + h @ wr.T)
    # global mean pool over graphs in batch
    ps = jax.ops.segment_sum(h, batch, num_segments=G)
    pc = jax.ops.segment_sum(jnp.ones((N, 1), dtype=jnp.float32), batch, num_segments=G)
    pooled = ps / jnp.maximum(pc, 1.0)
    # x = self.lins[1](x)
    return pooled @ lin1_w.T + lin1_b

if __name__ == "__main__":
    import jax
    _d = setup_inputs()
    print(jax.jit(kernel)(*tuple(_d.values())))

</pallas_src>

<mosaic_0001>
#map = affine_map<(d0, d1) -> (0, 0)>
#map1 = affine_map<(d0, d1) -> (0, 0, 0, 0)>
#map2 = affine_map<(d0, d1) -> (0, 0, 0)>
#map3 = affine_map<(d0, d1) -> (0)>
module attributes {stable_mosaic.version = 14 : i64} {
  func.func @agg_kernel(%arg0: i32, %arg1: i32, %arg2: memref<10000x128xf32, #tpu.memory_space<hbm>>, %arg3: memref<32x79x2x128xi32, #tpu.memory_space<hbm>>, %arg4: memref<2x10240x128xf32, #tpu.memory_space<hbm>>, %arg5: memref<327680xf32, #tpu.memory_space<hbm>>, %arg6: memref<79x2x128xi32, #tpu.memory_space<vmem>>, %arg7: memref<128x128xf32, #tpu.memory_space<vmem>>, %arg8: memref<10240x128xf32, #tpu.memory_space<vmem_shared>>, %arg9: memref<!tpu.dma_semaphore, #tpu.memory_space<semaphore_mem>>, %arg10: memref<10240xf32, #tpu.memory_space<vmem>>) attributes {dimension_semantics = [#tpu.dimension_semantics<core_parallel>, #tpu.dimension_semantics<subcore_parallel>], iteration_bounds = array<i64: 2, 16>, scalar_prefetch = 0 : i64, scratch_operands = 5 : i64, tpu.core_type = #tpu.core_type<sc_vector_subcore>, window_params = [{transform_indices = #map}, {transform_indices = #map1}, {transform_indices = #map2}, {transform_indices = #map3}]} {
    %mul3A = arith.constant 16 : i32
    %mul3A_0 = arith.muli %arg0, %mul3A : i32
    %add3A = arith.addi %mul3A_0, %arg1 : i32
    %mul3A_1 = arith.constant 640 : i32
    %mul3A_2 = arith.muli %arg1, %mul3A_1 : i32
    %dma_start3A = arith.constant 0 : i32
    %dma_start3A_3 = arith.constant 0 : i32
    %dma_start3A_4 = arith.constant 0 : i32
    %dma_start3A_5 = tpu.memref_slice %arg3[%add3A, %dma_start3A, %dma_start3A_3, %dma_start3A_4] : memref<32x79x2x128xi32, #tpu.memory_space<hbm>> -> memref<1x79x2x128xi32, #tpu.memory_space<hbm>>
    %dma_start3A_6 = tpu.memref_squeeze %dma_start3A_5 : memref<1x79x2x128xi32, #tpu.memory_space<hbm>> -> memref<79x2x128xi32, #tpu.memory_space<hbm>>
    %dma_start3A_7 = arith.constant 0 : i32
    %dma_start3A_8 = arith.constant 0 : i32
    %dma_start3A_9 = arith.constant 0 : i32
    %dma_start3A_10 = tpu.memref_slice %arg3[%add3A, %dma_start3A_7, %dma_start3A_8, %dma_start3A_9] : memref<32x79x2x128xi32, #tpu.memory_space<hbm>> -> memref<1x79x2x128xi32, #tpu.memory_space<hbm>>
    %dma_start3A_11 = tpu.memref_squeeze %dma_start3A_10 : memref<1x79x2x128xi32, #tpu.memory_space<hbm>> -> memref<79x2x128xi32, #tpu.memory_space<hbm>>
    tpu.enqueue_dma source(%dma_start3A_11 : memref<79x2x128xi32, #tpu.memory_space<hbm>>) target(%arg6 : memref<79x2x128xi32, #tpu.memory_space<vmem>>) target_semaphore(%arg9 : memref<!tpu.dma_semaphore, #tpu.memory_space<semaphore_mem>>)
    %scan3A = arith.constant 0 : i32
    %scan3A_12 = arith.constant 128 : i32
    %scan3A_13 = arith.addi %scan3A, %scan3A_12 : i32
    %scan3A_14 = arith.constant 1 : i32
    scf.for %scan3A_58 = %scan3A to %scan3A_13 step %scan3A_14  : i32 {
      %mul3A_59 = arith.constant 1 : i32
      %mul3A_60 = arith.muli %scan3A_58, %mul3A_59 : i32
      %add3A_61 = arith.constant 0 : i32
      %add3A_62 = arith.addi %add3A_61, %mul3A_60 : i32
      %scan3A_63 = arith.constant 0 : i32
      %scan3A_64 = arith.constant 8 : i32
      %scan3A_65 = arith.addi %scan3A_63, %scan3A_64 : i32
      %scan3A_66 = arith.constant 1 : i32
      scf.for %scan3A_68 = %scan3A_63 to %scan3A_65 step %scan3A_66  : i32 {
        %mul3A_69 = arith.constant 16 : i32
        %mul3A_70 = arith.muli %scan3A_68, %mul3A_69 : i32
        %add3A_71 = arith.constant 0 : i32
        %add3A_72 = arith.addi %add3A_71, %mul3A_70 : i32
        %broadcast_in_dim3A = arith.constant 0.000000e+00 : f32
        %broadcast_in_dim3A_73 = vector.broadcast %broadcast_in_dim3A : f32 to vector<16xf32>
        %swap3A = arith.index_cast %add3A_62 : i32 to index
        %swap3A_74 = arith.index_cast %add3A_72 : i32 to index
        %swap3A_75 = tpu.vector_load %arg7[%swap3A, %swap3A_74] {strides = array<i32>} : memref<128x128xf32, #tpu.memory_space<vmem>>, vector<16xf32>,
        tpu.vector_store %arg7[%swap3A, %swap3A_74], %broadcast_in_dim3A_73 {strides = array<i32>} : memref<128x128xf32, #tpu.memory_space<vmem>>, vector<16xf32>,
      }
      %scan3A_67 = arith.constant 8 : i32
    }
    %scan3A_15 = arith.constant 128 : i32
    %scan3A_16 = arith.constant 0 : i32
    %scan3A_17 = arith.constant 640 : i32
    %scan3A_18 = arith.addi %scan3A_16, %scan3A_17 : i32
    %scan3A_19 = arith.constant 1 : i32
    scf.for %scan3A_58 = %scan3A_16 to %scan3A_18 step %scan3A_19  : i32 {
      %mul3A_59 = arith.constant 16 : i32
      %mul3A_60 = arith.muli %scan3A_58, %mul3A_59 : i32
      %add3A_61 = arith.constant 0 : i32
      %add3A_62 = arith.addi %add3A_61, %mul3A_60 : i32
      %broadcast_in_dim3A = arith.constant 0.000000e+00 : f32
      %broadcast_in_dim3A_63 = vector.broadcast %broadcast_in_dim3A : f32 to vector<16xf32>
      %swap3A = arith.index_cast %add3A_62 : i32 to index
      %swap3A_64 = tpu.vector_load %arg10[%swap3A] {strides = array<i32>} : memref<10240xf32, #tpu.memory_space<vmem>>, vector<16xf32>,
      tpu.vector_store %arg10[%swap3A], %broadcast_in_dim3A_63 {strides = array<i32>} : memref<10240xf32, #tpu.memory_space<vmem>>, vector<16xf32>,
    }
    %scan3A_20 = arith.constant 640 : i32
    %add3A_21 = arith.constant 0 : i32
    %add3A_22 = arith.addi %mul3A_2, %add3A_21 : i32
    "tpu.region"() ({
      %run_scoped3A = tpu.sem_alloc : memref<!tpu.dma_semaphore, #tpu.memory_space<semaphore_mem>>
      %dma_start3A_58 = arith.constant 0 : i32
      %dma_start3A_59 = tpu.memref_slice %arg8[%add3A_22, %dma_start3A_58] : memref<10240x128xf32, #tpu.memory_space<vmem_shared>> -> memref<128x128xf32, #tpu.memory_space<vmem_shared>>
      %dma_start3A_60 = arith.constant 0 : i32
      %dma_start3A_61 = tpu.memref_slice %arg8[%add3A_22, %dma_start3A_60] : memref<10240x128xf32, #tpu.memory_space<vmem_shared>> -> memref<128x128xf32, #tpu.memory_space<vmem_shared>>
      tpu.enqueue_dma source(%arg7 : memref<128x128xf32, #tpu.memory_space<vmem>>) target(%dma_start3A_61 : memref<128x128xf32, #tpu.memory_space<vmem_shared>>) target_semaphore(%run_scoped3A : memref<!tpu.dma_semaphore, #tpu.memory_space<semaphore_mem>>)
      %dma_wait3A_62 = arith.constant 0 : i32
      %dma_wait3A_63 = tpu.memref_slice %arg8[%add3A_22, %dma_wait3A_62] : memref<10240x128xf32, #tpu.memory_space<vmem_shared>> -> memref<128x128xf32, #tpu.memory_space<vmem_shared>>
      %dma_wait3A_64 = arith.constant 0 : i32
      %dma_wait3A_65 = tpu.memref_slice %arg8[%add3A_22, %dma_wait3A_64] : memref<10240x128xf32, #tpu.memory_space<vmem_shared>> -> memref<128x128xf32, #tpu.memory_space<vmem_shared>>
      tpu.wait_dma2 semaphore(%run_scoped3A : memref<!tpu.dma_semaphore, #tpu.memory_space<semaphore_mem>>) src(%arg7 : memref<128x128xf32, #tpu.memory_space<vmem>>) dst(%dma_wait3A_65 : memref<128x128xf32, #tpu.memory_space<vmem_shared>>)
      tpu.yield
    }) : () -> ()
    %add3A_23 = arith.constant 128 : i32
    %add3A_24 = arith.addi %mul3A_2, %add3A_23 : i32
    "tpu.region"() ({
      %run_scoped3A = tpu.sem_alloc : memref<!tpu.dma_semaphore, #tpu.memory_space<semaphore_mem>>
      %dma_start3A_58 = arith.constant 0 : i32
      %dma_start3A_59 = tpu.memref_slice %arg8[%add3A_24, %dma_start3A_58] : memref<10240x128xf32, #tpu.memory_space<vmem_shared>> -> memref<128x128xf32, #tpu.memory_space<vmem_shared>>
      %dma_start3A_60 = arith.constant 0 : i32
      %dma_start3A_61 = tpu.memref_slice %arg8[%add3A_24, %dma_start3A_60] : memref<10240x128xf32, #tpu.memory_space<vmem_shared>> -> memref<128x128xf32, #tpu.memory_space<vmem_shared>>
      tpu.enqueue_dma source(%arg7 : memref<128x128xf32, #tpu.memory_space<vmem>>) target(%dma_start3A_61 : memref<128x128xf32, #tpu.memory_space<vmem_shared>>) target_semaphore(%run_scoped3A : memref<!tpu.dma_semaphore, #tpu.memory_space<semaphore_mem>>)
      %dma_wait3A_62 = arith.constant 0 : i32
      %dma_wait3A_63 = tpu.memref_slice %arg8[%add3A_24, %dma_wait3A_62] : memref<10240x128xf32, #tpu.memory_space<vmem_shared>> -> memref<128x128xf32, #tpu.memory_space<vmem_shared>>
      %dma_wait3A_64 = arith.constant 0 : i32
      %dma_wait3A_65 = tpu.memref_slice %arg8[%add3A_24, %dma_wait3A_64] : memref<10240x128xf32, #tpu.memory_space<vmem_shared>> -> memref<128x128xf32, #tpu.memory_space<vmem_shared>>
      tpu.wait_dma2 semaphore(%run_scoped3A : memref<!tpu.dma_semaphore, #tpu.memory_space<semaphore_mem>>) src(%arg7 : memref<128x128xf32, #tpu.memory_space<vmem>>) dst(%dma_wait3A_65 : memref<128x128xf32, #tpu.memory_space<vmem_shared>>)
      tpu.yield
    }) : () -> ()
    %add3A_25 = arith.constant 256 : i32
    %add3A_26 = arith.addi %mul3A_2, %add3A_25 : i32
    "tpu.region"() ({
      %run_scoped3A = tpu.sem_alloc : memref<!tpu.dma_semaphore, #tpu.memory_space<semaphore_mem>>
      %dma_start3A_58 = arith.constant 0 : i32
      %dma_start3A_59 = tpu.memref_slice %arg8[%add3A_26, %dma_start3A_58] : memref<10240x128xf32, #tpu.memory_space<vmem_shared>> -> memref<128x128xf32, #tpu.memory_space<vmem_shared>>
      %dma_start3A_60 = arith.constant 0 : i32
      %dma_start3A_61 = tpu.memref_slice %arg8[%add3A_26, %dma_start3A_60] : memref<10240x128xf32, #tpu.memory_space<vmem_shared>> -> memref<128x128xf32, #tpu.memory_space<vmem_shared>>
      tpu.enqueue_dma source(%arg7 : memref<128x128xf32, #tpu.memory_space<vmem>>) target(%dma_start3A_61 : memref<128x128xf32, #tpu.memory_space<vmem_shared>>) target_semaphore(%run_scoped3A : memref<!tpu.dma_semaphore, #tpu.memory_space<semaphore_mem>>)
      %dma_wait3A_62 = arith.constant 0 : i32
      %dma_wait3A_63 = tpu.memref_slice %arg8[%add3A_26, %dma_wait3A_62] : memref<10240x128xf32, #tpu.memory_space<vmem_shared>> -> memref<128x128xf32, #tpu.memory_space<vmem_shared>>
      %dma_wait3A_64 = arith.constant 0 : i32
      %dma_wait3A_65 = tpu.memref_slice %arg8[%add3A_26, %dma_wait3A_64] : memref<10240x128xf32, #tpu.memory_space<vmem_shared>> -> memref<128x128xf32, #tpu.memory_space<vmem_shared>>
      tpu.wait_dma2 semaphore(%run_scoped3A : memref<!tpu.dma_semaphore, #tpu.memory_space<semaphore_mem>>) src(%arg7 : memref<128x128xf32, #tpu.memory_space<vmem>>) dst(%dma_wait3A_65 : memref<128x128xf32, #tpu.memory_space<vmem_shared>>)
      tpu.yield
    }) : () -> ()
    %add3A_27 = arith.constant 384 : i32
    %add3A_28 = arith.addi %mul3A_2, %add3A_27 : i32
    "tpu.region"() ({
      %run_scoped3A = tpu.sem_alloc : memref<!tpu.dma_semaphore, #tpu.memory_space<semaphore_mem>>
      %dma_start3A_58 = arith.constant 0 : i32
      %dma_start3A_59 = tpu.memref_slice %arg8[%add3A_28, %dma_start3A_58] : memref<10240x128xf32, #tpu.memory_space<vmem_shared>> -> memref<128x128xf32, #tpu.memory_space<vmem_shared>>
      %dma_start3A_60 = arith.constant 0 : i32
      %dma_start3A_61 = tpu.memref_slice %arg8[%add3A_28, %dma_start3A_60] : memref<10240x128xf32, #tpu.memory_space<vmem_shared>> -> memref<128x128xf32, #tpu.memory_space<vmem_shared>>
      tpu.enqueue_dma source(%arg7 : memref<128x128xf32, #tpu.memory_space<vmem>>) target(%dma_start3A_61 : memref<128x128xf32, #tpu.memory_space<vmem_shared>>) target_semaphore(%run_scoped3A : memref<!tpu.dma_semaphore, #tpu.memory_space<semaphore_mem>>)
      %dma_wait3A_62 = arith.constant 0 : i32
      %dma_wait3A_63 = tpu.memref_slice %arg8[%add3A_28, %dma_wait3A_62] : memref<10240x128xf32, #tpu.memory_space<vmem_shared>> -> memref<128x128xf32, #tpu.memory_space<vmem_shared>>
      %dma_wait3A_64 = arith.constant 0 : i32
      %dma_wait3A_65 = tpu.memref_slice %arg8[%add3A_28, %dma_wait3A_64] : memref<10240x128xf32, #tpu.memory_space<vmem_shared>> -> memref<128x128xf32, #tpu.memory_space<vmem_shared>>
      tpu.wait_dma2 semaphore(%run_scoped3A : memref<!tpu.dma_semaphore, #tpu.memory_space<semaphore_mem>>) src(%arg7 : memref<128x128xf32, #tpu.memory_space<vmem>>) dst(%dma_wait3A_65 : memref<128x128xf32, #tpu.memory_space<vmem_shared>>)
      tpu.yield
    }) : () -> ()
    %add3A_29 = arith.constant 512 : i32
    %add3A_30 = arith.addi %mul3A_2, %add3A_29 : i32
    "tpu.region"() ({
      %run_scoped3A = tpu.sem_alloc : memref<!tpu.dma_semaphore, #tpu.memory_space<semaphore_mem>>
      %dma_start3A_58 = arith.constant 0 : i32
      %dma_start3A_59 = tpu.memref_slice %arg8[%add3A_30, %dma_start3A_58] : memref<10240x128xf32, #tpu.memory_space<vmem_shared>> -> memref<128x128xf32, #tpu.memory_space<vmem_shared>>
      %dma_start3A_60 = arith.constant 0 : i32
      %dma_start3A_61 = tpu.memref_slice %arg8[%add3A_30, %dma_start3A_60] : memref<10240x128xf32, #tpu.memory_space<vmem_shared>> -> memref<128x128xf32, #tpu.memory_space<vmem_shared>>
      tpu.enqueue_dma source(%arg7 : memref<128x128xf32, #tpu.memory_space<vmem>>) target(%dma_start3A_61 : memref<128x128xf32, #tpu.memory_space<vmem_shared>>) target_semaphore(%run_scoped3A : memref<!tpu.dma_semaphore, #tpu.memory_space<semaphore_mem>>)
      %dma_wait3A_62 = arith.constant 0 : i32
      %dma_wait3A_63 = tpu.memref_slice %arg8[%add3A_30, %dma_wait3A_62] : memref<10240x128xf32, #tpu.memory_space<vmem_shared>> -> memref<128x128xf32, #tpu.memory_space<vmem_shared>>
      %dma_wait3A_64 = arith.constant 0 : i32
      %dma_wait3A_65 = tpu.memref_slice %arg8[%add3A_30, %dma_wait3A_64] : memref<10240x128xf32, #tpu.memory_space<vmem_shared>> -> memref<128x128xf32, #tpu.memory_space<vmem_shared>>
      tpu.wait_dma2 semaphore(%run_scoped3A : memref<!tpu.dma_semaphore, #tpu.memory_space<semaphore_mem>>) src(%arg7 : memref<128x128xf32, #tpu.memory_space<vmem>>) dst(%dma_wait3A_65 : memref<128x128xf32, #tpu.memory_space<vmem_shared>>)
      tpu.yield
    }) : () -> ()
    %dma_wait3A = arith.constant 0 : i32
    %dma_wait3A_31 = arith.constant 0 : i32
    %dma_wait3A_32 = arith.constant 0 : i32
    %dma_wait3A_33 = tpu.memref_slice %arg3[%add3A, %dma_wait3A, %dma_wait3A_31, %dma_wait3A_32] : memref<32x79x2x128xi32, #tpu.memory_space<hbm>> -> memref<1x79x2x128xi32, #tpu.memory_space<hbm>>
    %dma_wait3A_34 = tpu.memref_squeeze %dma_wait3A_33 : memref<1x79x2x128xi32, #tpu.memory_space<hbm>> -> memref<79x2x128xi32, #tpu.memory_space<hbm>>
    %dma_wait3A_35 = arith.constant 0 : i32
    %dma_wait3A_36 = arith.constant 0 : i32
    %dma_wait3A_37 = arith.constant 0 : i32
    %dma_wait3A_38 = tpu.memref_slice %arg3[%add3A, %dma_wait3A_35, %dma_wait3A_36, %dma_wait3A_37] : memref<32x79x2x128xi32, #tpu.memory_space<hbm>> -> memref<1x79x2x128xi32, #tpu.memory_space<hbm>>
    %dma_wait3A_39 = tpu.memref_squeeze %dma_wait3A_38 : memref<1x79x2x128xi32, #tpu.memory_space<hbm>> -> memref<79x2x128xi32, #tpu.memory_space<hbm>>
    tpu.wait_dma2 semaphore(%arg9 : memref<!tpu.dma_semaphore, #tpu.memory_space<semaphore_mem>>) src(%dma_wait3A_39 : memref<79x2x128xi32, #tpu.memory_space<hbm>>) dst(%arg6 : memref<79x2x128xi32, #tpu.memory_space<vmem>>)
    %barrier3A = arith.constant 0 : index
    tpu.barrier barrier_id(%barrier3A)
    %scan3A_40 = arith.constant 0 : i32
    %scan3A_41 = arith.constant 79 : i32
    %scan3A_42 = arith.addi %scan3A_40, %scan3A_41 : i32
    %scan3A_43 = arith.constant 1 : i32
    scf.for %scan3A_58 = %scan3A_40 to %scan3A_42 step %scan3A_43  : i32 {
      %mul3A_59 = arith.constant 1 : i32
      %mul3A_60 = arith.muli %scan3A_58, %mul3A_59 : i32
      %add3A_61 = arith.constant 0 : i32
      %add3A_62 = arith.addi %add3A_61, %mul3A_60 : i32
      %dma_start3A_63 = arith.constant 0 : i32
      %dma_start3A_64 = arith.constant 0 : i32
      %dma_start3A_65 = tpu.memref_slice %arg6[%add3A_62, %dma_start3A_63, %dma_start3A_64] : memref<79x2x128xi32, #tpu.memory_space<vmem>> -> memref<1x1x128xi32, #tpu.memory_space<vmem>>
      %dma_start3A_66 = tpu.memref_squeeze %dma_start3A_65 : memref<1x1x128xi32, #tpu.memory_space<vmem>> -> memref<128xi32, #tpu.memory_space<vmem>>
      %dma_start3A_67 = arith.constant 0 : i32
      %dma_start3A_68 = arith.constant 0 : i32
      %dma_start3A_69 = tpu.memref_slice %arg2[%dma_start3A_67, %dma_start3A_68] : memref<10000x128xf32, #tpu.memory_space<hbm>> -> memref<10000x128xf32, #tpu.memory_space<hbm>>
      tpu.enqueue_indirect_dma source(%dma_start3A_69 : memref<10000x128xf32, #tpu.memory_space<hbm>>) target(%arg7 : memref<128x128xf32, #tpu.memory_space<vmem>>) offsets(%dma_start3A_66 : memref<128xi32, #tpu.memory_space<vmem>>) semaphore(%arg9 : memref<!tpu.dma_semaphore, #tpu.memory_space<semaphore_mem>>)
      %get3A = arith.constant 1 : i32
      %get3A_70 = arith.index_cast %add3A_62 : i32 to index
      %get3A_71 = arith.index_cast %get3A : i32 to index
      %get3A_72 = arith.constant 0 : index
      %get3A_73 = tpu.vector_load %arg6[%get3A_70, %get3A_71, %get3A_72] {strides = array<i32>} : memref<79x2x128xi32, #tpu.memory_space<vmem>>, vector<16xi32>,
      %broadcast_in_dim3A = arith.constant true
      %broadcast_in_dim3A_74 = vector.broadcast %broadcast_in_dim3A : i1 to vector<16xi1>
      %unique3A, %unique3A_75 = tpu.scan_count mask(%broadcast_in_dim3A_74 : vector<16xi1>) value(%get3A_73 : vector<16xi32>) : vector<16xi1>, vector<16xi32>
      %convert_element_type3A = arith.sitofp %unique3A_75 : vector<16xi32> to vector<16xf32>
      tpu.vector_store_idx %arg10[%get3A_73], %convert_element_type3A masked %unique3A {add = true} : memref<10240xf32, #tpu.memory_space<vmem>>[vector<16xi32>], vector<16xf32>, vector<16xi1>
      %get3A_76 = arith.constant 1 : i32
      %get3A_77 = arith.index_cast %add3A_62 : i32 to index
      %get3A_78 = arith.index_cast %get3A_76 : i32 to index
      %get3A_79 = arith.constant 16 : index
      %get3A_80 = tpu.vector_load %arg6[%get3A_77, %get3A_78, %get3A_79] {strides = array<i32>} : memref<79x2x128xi32, #tpu.memory_space<vmem>>, vector<16xi32>,
      %broadcast_in_dim3A_81 = arith.constant true
      %broadcast_in_dim3A_82 = vector.broadcast %broadcast_in_dim3A_81 : i1 to vector<16xi1>
      %unique3A_83, %unique3A_84 = tpu.scan_count mask(%broadcast_in_dim3A_82 : vector<16xi1>) value(%get3A_80 : vector<16xi32>) : vector<16xi1>, vector<16xi32>
      %convert_element_type3A_85 = arith.sitofp %unique3A_84 : vector<16xi32> to vector<16xf32>
      tpu.vector_store_idx %arg10[%get3A_80], %convert_element_type3A_85 masked %unique3A_83 {add = true} : memref<10240xf32, #tpu.memory_space<vmem>>[vector<16xi32>], vector<16xf32>, vector<16xi1>
      %get3A_86 = arith.constant 1 : i32
      %get3A_87 = arith.index_cast %add3A_62 : i32 to index
      %get3A_88 = arith.index_cast %get3A_86 : i32 to index
      %get3A_89 = arith.constant 32 : index
      %get3A_90 = tpu.vector_load %arg6[%get3A_87, %get3A_88, %get3A_89] {strides = array<i32>} : memref<79x2x128xi32, #tpu.memory_space<vmem>>, vector<16xi32>,
      %broadcast_in_dim3A_91 = arith.constant true
      %broadcast_in_dim3A_92 = vector.broadcast %broadcast_in_dim3A_91 : i1 to vector<16xi1>
      %unique3A_93, %unique3A_94 = tpu.scan_count mask(%broadcast_in_dim3A_92 : vector<16xi1>) value(%get3A_90 : vector<16xi32>) : vector<16xi1>, vector<16xi32>
      %convert_element_type3A_95 = arith.sitofp %unique3A_94 : vector<16xi32> to vector<16xf32>
      tpu.vector_store_idx %arg10[%get3A_90], %convert_element_type3A_95 masked %unique3A_93 {add = true} : memref<10240xf32, #tpu.memory_space<vmem>>[vector<16xi32>], vector<16xf32>, vector<16xi1>
      %get3A_96 = arith.constant 1 : i32
      %get3A_97 = arith.index_cast %add3A_62 : i32 to index
      %get3A_98 = arith.index_cast %get3A_96 : i32 to index
      %get3A_99 = arith.constant 48 : index
      %get3A_100 = tpu.vector_load %arg6[%get3A_97, %get3A_98, %get3A_99] {strides = array<i32>} : memref<79x2x128xi32, #tpu.memory_space<vmem>>, vector<16xi32>,
      %broadcast_in_dim3A_101 = arith.constant true
      %broadcast_in_dim3A_102 = vector.broadcast %broadcast_in_dim3A_101 : i1 to vector<16xi1>
      %unique3A_103, %unique3A_104 = tpu.scan_count mask(%broadcast_in_dim3A_102 : vector<16xi1>) value(%get3A_100 : vector<16xi32>) : vector<16xi1>, vector<16xi32>
      %convert_element_type3A_105 = arith.sitofp %unique3A_104 : vector<16xi32> to vector<16xf32>
      tpu.vector_store_idx %arg10[%get3A_100], %convert_element_type3A_105 masked %unique3A_103 {add = true} : memref<10240xf32, #tpu.memory_space<vmem>>[vector<16xi32>], vector<16xf32>, vector<16xi1>
      %get3A_106 = arith.constant 1 : i32
      %get3A_107 = arith.index_cast %add3A_62 : i32 to index
      %get3A_108 = arith.index_cast %get3A_106 : i32 to index
      %get3A_109 = arith.constant 64 : index
      %get3A_110 = tpu.vector_load %arg6[%get3A_107, %get3A_108, %get3A_109] {strides = array<i32>} : memref<79x2x128xi32, #tpu.memory_space<vmem>>, vector<16xi32>,
      %broadcast_in_dim3A_111 = arith.constant true
      %broadcast_in_dim3A_112 = vector.broadcast %broadcast_in_dim3A_111 : i1 to vector<16xi1>
      %unique3A_113, %unique3A_114 = tpu.scan_count mask(%broadcast_in_dim3A_112 : vector<16xi1>) value(%get3A_110 : vector<16xi32>) : vector<16xi1>, vector<16xi32>
      %convert_element_type3A_115 = arith.sitofp %unique3A_114 : vector<16xi32> to vector<16xf32>
      tpu.vector_store_idx %arg10[%get3A_110], %convert_element_type3A_115 masked %unique3A_113 {add = true} : memref<10240xf32, #tpu.memory_space<vmem>>[vector<16xi32>], vector<16xf32>, vector<16xi1>
      %get3A_116 = arith.constant 1 : i32
      %get3A_117 = arith.index_cast %add3A_62 : i32 to index
      %get3A_118 = arith.index_cast %get3A_116 : i32 to index
      %get3A_119 = arith.constant 80 : index
      %get3A_120 = tpu.vector_load %arg6[%get3A_117, %get3A_118, %get3A_119] {strides = array<i32>} : memref<79x2x128xi32, #tpu.memory_space<vmem>>, vector<16xi32>,
      %broadcast_in_dim3A_121 = arith.constant true
      %broadcast_in_dim3A_122 = vector.broadcast %broadcast_in_dim3A_121 : i1 to vector<16xi1>
      %unique3A_123, %unique3A_124 = tpu.scan_count mask(%broadcast_in_dim3A_122 : vector<16xi1>) value(%get3A_120 : vector<16xi32>) : vector<16xi1>, vector<16xi32>
      %convert_element_type3A_125 = arith.sitofp %unique3A_124 : vector<16xi32> to vector<16xf32>
      tpu.vector_store_idx %arg10[%get3A_120], %convert_element_type3A_125 masked %unique3A_123 {add = true} : memref<10240xf32, #tpu.memory_space<vmem>>[vector<16xi32>], vector<16xf32>, vector<16xi1>
      %get3A_126 = arith.constant 1 : i32
      %get3A_127 = arith.index_cast %add3A_62 : i32 to index
      %get3A_128 = arith.index_cast %get3A_126 : i32 to index
      %get3A_129 = arith.constant 96 : index
      %get3A_130 = tpu.vector_load %arg6[%get3A_127, %get3A_128, %get3A_129] {strides = array<i32>} : memref<79x2x128xi32, #tpu.memory_space<vmem>>, vector<16xi32>,
      %broadcast_in_dim3A_131 = arith.constant true
      %broadcast_in_dim3A_132 = vector.broadcast %broadcast_in_dim3A_131 : i1 to vector<16xi1>
      %unique3A_133, %unique3A_134 = tpu.scan_count mask(%broadcast_in_dim3A_132 : vector<16xi1>) value(%get3A_130 : vector<16xi32>) : vector<16xi1>, vector<16xi32>
      %convert_element_type3A_135 = arith.sitofp %unique3A_134 : vector<16xi32> to vector<16xf32>
      tpu.vector_store_idx %arg10[%get3A_130], %convert_element_type3A_135 masked %unique3A_133 {add = true} : memref<10240xf32, #tpu.memory_space<vmem>>[vector<16xi32>], vector<16xf32>, vector<16xi1>
      %get3A_136 = arith.constant 1 : i32
      %get3A_137 = arith.index_cast %add3A_62 : i32 to index
      %get3A_138 = arith.index_cast %get3A_136 : i32 to index
      %get3A_139 = arith.constant 112 : index
      %get3A_140 = tpu.vector_load %arg6[%get3A_137, %get3A_138, %get3A_139] {strides = array<i32>} : memref<79x2x128xi32, #tpu.memory_space<vmem>>, vector<16xi32>,
      %broadcast_in_dim3A_141 = arith.constant true
      %broadcast_in_dim3A_142 = vector.broadcast %broadcast_in_dim3A_141 : i1 to vector<16xi1>
      %unique3A_143, %unique3A_144 = tpu.scan_count mask(%broadcast_in_dim3A_142 : vector<16xi1>) value(%get3A_140 : vector<16xi32>) : vector<16xi1>, vector<16xi32>
      %convert_element_type3A_145 = arith.sitofp %unique3A_144 : vector<16xi32> to vector<16xf32>
      tpu.vector_store_idx %arg10[%get3A_140], %convert_element_type3A_145 masked %unique3A_143 {add = true} : memref<10240xf32, #tpu.memory_space<vmem>>[vector<16xi32>], vector<16xf32>, vector<16xi1>
      %dma_wait3A_146 = arith.constant 0 : i32
      %dma_wait3A_147 = arith.constant 0 : i32
      %dma_wait3A_148 = tpu.memref_slice %arg6[%add3A_62, %dma_wait3A_146, %dma_wait3A_147] : memref<79x2x128xi32, #tpu.memory_space<vmem>> -> memref<1x1x128xi32, #tpu.memory_space<vmem>>
      %dma_wait3A_149 = tpu.memref_squeeze %dma_wait3A_148 : memref<1x1x128xi32, #tpu.memory_space<vmem>> -> memref<128xi32, #tpu.memory_space<vmem>>
      %dma_wait3A_150 = arith.constant 0 : i32
      %dma_wait3A_151 = arith.constant 0 : i32
      %dma_wait3A_152 = tpu.memref_slice %arg2[%dma_wait3A_150, %dma_wait3A_151] : memref<10000x128xf32, #tpu.memory_space<hbm>> -> memref<10000x128xf32, #tpu.memory_space<hbm>>
      tpu.wait_indirect_dma semaphore(%arg9 : memref<!tpu.dma_semaphore, #tpu.memory_space<semaphore_mem>>) src(%dma_wait3A_152 : memref<10000x128xf32, #tpu.memory_space<hbm>>) dst(%arg7 : memref<128x128xf32, #tpu.memory_space<vmem>>)
      %run_scoped3A = arith.constant 1 : i32
      "tpu.region"() ({
        %run_scoped3A_153 = tpu.sem_alloc : memref<!tpu.dma_semaphore, #tpu.memory_space<semaphore_mem>>
        %dma_start3A_154 = arith.constant 0 : i32
        %dma_start3A_155 = tpu.memref_slice %arg6[%add3A_62, %run_scoped3A, %dma_start3A_154] : memref<79x2x128xi32, #tpu.memory_space<vmem>> -> memref<1x1x128xi32, #tpu.memory_space<vmem>>
        %dma_start3A_156 = tpu.memref_squeeze %dma_start3A_155 : memref<1x1x128xi32, #tpu.memory_space<vmem>> -> memref<128xi32, #tpu.memory_space<vmem>>
        %dma_start3A_157 = arith.constant 0 : i32
        %dma_start3A_158 = arith.constant 0 : i32
        %dma_start3A_159 = tpu.memref_slice %arg8[%dma_start3A_157, %dma_start3A_158] : memref<10240x128xf32, #tpu.memory_space<vmem_shared>> -> memref<10240x128xf32, #tpu.memory_space<vmem_shared>>
        tpu.enqueue_indirect_dma source(%arg7 : memref<128x128xf32, #tpu.memory_space<vmem>>) target(%dma_start3A_159 : memref<10240x128xf32, #tpu.memory_space<vmem_shared>>) offsets(%dma_start3A_156 : memref<128xi32, #tpu.memory_space<vmem>>) semaphore(%run_scoped3A_153 : memref<!tpu.dma_semaphore, #tpu.memory_space<semaphore_mem>>) {add = true}
        %dma_wait3A_160 = arith.constant 0 : i32
        %dma_wait3A_161 = tpu.memref_slice %arg6[%add3A_62, %run_scoped3A, %dma_wait3A_160] : memref<79x2x128xi32, #tpu.memory_space<vmem>> -> memref<1x1x128xi32, #tpu.memory_space<vmem>>
        %dma_wait3A_162 = tpu.memref_squeeze %dma_wait3A_161 : memref<1x1x128xi32, #tpu.memory_space<vmem>> -> memref<128xi32, #tpu.memory_space<vmem>>
        %dma_wait3A_163 = arith.constant 0 : i32
        %dma_wait3A_164 = arith.constant 0 : i32
        %dma_wait3A_165 = tpu.memref_slice %arg8[%dma_wait3A_163, %dma_wait3A_164] : memref<10240x128xf32, #tpu.memory_space<vmem_shared>> -> memref<10240x128xf32, #tpu.memory_space<vmem_shared>>
        tpu.wait_indirect_dma semaphore(%run_scoped3A_153 : memref<!tpu.dma_semaphore, #tpu.memory_space<semaphore_mem>>) src(%arg7 : memref<128x128xf32, #tpu.memory_space<vmem>>) dst(%dma_wait3A_165 : memref<10240x128xf32, #tpu.memory_space<vmem_shared>>)
        tpu.yield
      }) : () -> ()
    }
    %scan3A_44 = arith.constant 79 : i32
    %barrier3A_45 = arith.constant 0 : index
    tpu.barrier barrier_id(%barrier3A_45)
    %add3A_46 = arith.constant 0 : i32
    %add3A_47 = arith.addi %mul3A_2, %add3A_46 : i32
    "tpu.region"() ({
      %run_scoped3A = tpu.sem_alloc : memref<!tpu.dma_semaphore, #tpu.memory_space<semaphore_mem>>
      %dma_start3A_58 = arith.constant 0 : i32
      %dma_start3A_59 = arith.constant 0 : i32
      %dma_start3A_60 = tpu.memref_slice %arg4[%arg0, %dma_start3A_58, %dma_start3A_59] : memref<2x10240x128xf32, #tpu.memory_space<hbm>> -> memref<1x10240x128xf32, #tpu.memory_space<hbm>>
      %dma_start3A_61 = tpu.memref_squeeze %dma_start3A_60 : memref<1x10240x128xf32, #tpu.memory_space<hbm>> -> memref<10240x128xf32, #tpu.memory_space<hbm>>
      %dma_start3A_62 = arith.constant 0 : i32
      %dma_start3A_63 = tpu.memref_slice %dma_start3A_61[%add3A_47, %dma_start3A_62] : memref<10240x128xf32, #tpu.memory_space<hbm>> -> memref<128x128xf32, #tpu.memory_space<hbm>>
      %dma_start3A_64 = arith.constant 0 : i32
      %dma_start3A_65 = tpu.memref_slice %arg8[%add3A_47, %dma_start3A_64] : memref<10240x128xf32, #tpu.memory_space<vmem_shared>> -> memref<128x128xf32, #tpu.memory_space<vmem_shared>>
      tpu.enqueue_dma source(%dma_start3A_65 : memref<128x128xf32, #tpu.memory_space<vmem_shared>>) target(%dma_start3A_63 : memref<128x128xf32, #tpu.memory_space<hbm>>) target_semaphore(%run_scoped3A : memref<!tpu.dma_semaphore, #tpu.memory_space<semaphore_mem>>)
      %dma_wait3A_66 = arith.constant 0 : i32
      %dma_wait3A_67 = arith.constant 0 : i32
      %dma_wait3A_68 = tpu.memref_slice %arg4[%arg0, %dma_wait3A_66, %dma_wait3A_67] : memref<2x10240x128xf32, #tpu.memory_space<hbm>> -> memref<1x10240x128xf32, #tpu.memory_space<hbm>>
      %dma_wait3A_69 = tpu.memref_squeeze %dma_wait3A_68 : memref<1x10240x128xf32, #tpu.memory_space<hbm>> -> memref<10240x128xf32, #tpu.memory_space<hbm>>
      %dma_wait3A_70 = arith.constant 0 : i32
      %dma_wait3A_71 = tpu.memref_slice %dma_wait3A_69[%add3A_47, %dma_wait3A_70] : memref<10240x128xf32, #tpu.memory_space<hbm>> -> memref<128x128xf32, #tpu.memory_space<hbm>>
      %dma_wait3A_72 = arith.constant 0 : i32
      %dma_wait3A_73 = tpu.memref_slice %arg8[%add3A_47, %dma_wait3A_72] : memref<10240x128xf32, #tpu.memory_space<vmem_shared>> -> memref<128x128xf32, #tpu.memory_space<vmem_shared>>
      tpu.wait_dma2 semaphore(%run_scoped3A : memref<!tpu.dma_semaphore, #tpu.memory_space<semaphore_mem>>) src(%dma_wait3A_73 : memref<128x128xf32, #tpu.memory_space<vmem_shared>>) dst(%dma_wait3A_71 : memref<128x128xf32, #tpu.memory_space<hbm>>)
      tpu.yield
    }) : () -> ()
    %add3A_48 = arith.constant 128 : i32
    %add3A_49 = arith.addi %mul3A_2, %add3A_48 : i32
    "tpu.region"() ({
      %run_scoped3A = tpu.sem_alloc : memref<!tpu.dma_semaphore, #tpu.memory_space<semaphore_mem>>
      %dma_start3A_58 = arith.constant 0 : i32
      %dma_start3A_59 = arith.constant 0 : i32
      %dma_start3A_60 = tpu.memref_slice %arg4[%arg0, %dma_start3A_58, %dma_start3A_59] : memref<2x10240x128xf32, #tpu.memory_space<hbm>> -> memref<1x10240x128xf32, #tpu.memory_space<hbm>>
      %dma_start3A_61 = tpu.memref_squeeze %dma_start3A_60 : memref<1x10240x128xf32, #tpu.memory_space<hbm>> -> memref<10240x128xf32, #tpu.memory_space<hbm>>
      %dma_start3A_62 = arith.constant 0 : i32
      %dma_start3A_63 = tpu.memref_slice %dma_start3A_61[%add3A_49, %dma_start3A_62] : memref<10240x128xf32, #tpu.memory_space<hbm>> -> memref<128x128xf32, #tpu.memory_space<hbm>>
      %dma_start3A_64 = arith.constant 0 : i32
      %dma_start3A_65 = tpu.memref_slice %arg8[%add3A_49, %dma_start3A_64] : memref<10240x128xf32, #tpu.memory_space<vmem_shared>> -> memref<128x128xf32, #tpu.memory_space<vmem_shared>>
      tpu.enqueue_dma source(%dma_start3A_65 : memref<128x128xf32, #tpu.memory_space<vmem_shared>>) target(%dma_start3A_63 : memref<128x128xf32, #tpu.memory_space<hbm>>) target_semaphore(%run_scoped3A : memref<!tpu.dma_semaphore, #tpu.memory_space<semaphore_mem>>)
      %dma_wait3A_66 = arith.constant 0 : i32
      %dma_wait3A_67 = arith.constant 0 : i32
      %dma_wait3A_68 = tpu.memref_slice %arg4[%arg0, %dma_wait3A_66, %dma_wait3A_67] : memref<2x10240x128xf32, #tpu.memory_space<hbm>> -> memref<1x10240x128xf32, #tpu.memory_space<hbm>>
      %dma_wait3A_69 = tpu.memref_squeeze %dma_wait3A_68 : memref<1x10240x128xf32, #tpu.memory_space<hbm>> -> memref<10240x128xf32, #tpu.memory_space<hbm>>
      %dma_wait3A_70 = arith.constant 0 : i32
      %dma_wait3A_71 = tpu.memref_slice %dma_wait3A_69[%add3A_49, %dma_wait3A_70] : memref<10240x128xf32, #tpu.memory_space<hbm>> -> memref<128x128xf32, #tpu.memory_space<hbm>>
      %dma_wait3A_72 = arith.constant 0 : i32
      %dma_wait3A_73 = tpu.memref_slice %arg8[%add3A_49, %dma_wait3A_72] : memref<10240x128xf32, #tpu.memory_space<vmem_shared>> -> memref<128x128xf32, #tpu.memory_space<vmem_shared>>
      tpu.wait_dma2 semaphore(%run_scoped3A : memref<!tpu.dma_semaphore, #tpu.memory_space<semaphore_mem>>) src(%dma_wait3A_73 : memref<128x128xf32, #tpu.memory_space<vmem_shared>>) dst(%dma_wait3A_71 : memref<128x128xf32, #tpu.memory_space<hbm>>)
      tpu.yield
    }) : () -> ()
    %add3A_50 = arith.constant 256 : i32
    %add3A_51 = arith.addi %mul3A_2, %add3A_50 : i32
    "tpu.region"() ({
      %run_scoped3A = tpu.sem_alloc : memref<!tpu.dma_semaphore, #tpu.memory_space<semaphore_mem>>
      %dma_start3A_58 = arith.constant 0 : i32
      %dma_start3A_59 = arith.constant 0 : i32
      %dma_start3A_60 = tpu.memref_slice %arg4[%arg0, %dma_start3A_58, %dma_start3A_59] : memref<2x10240x128xf32, #tpu.memory_space<hbm>> -> memref<1x10240x128xf32, #tpu.memory_space<hbm>>
      %dma_start3A_61 = tpu.memref_squeeze %dma_start3A_60 : memref<1x10240x128xf32, #tpu.memory_space<hbm>> -> memref<10240x128xf32, #tpu.memory_space<hbm>>
      %dma_start3A_62 = arith.constant 0 : i32
      %dma_start3A_63 = tpu.memref_slice %dma_start3A_61[%add3A_51, %dma_start3A_62] : memref<10240x128xf32, #tpu.memory_space<hbm>> -> memref<128x128xf32, #tpu.memory_space<hbm>>
      %dma_start3A_64 = arith.constant 0 : i32
      %dma_start3A_65 = tpu.memref_slice %arg8[%add3A_51, %dma_start3A_64] : memref<10240x128xf32, #tpu.memory_space<vmem_shared>> -> memref<128x128xf32, #tpu.memory_space<vmem_shared>>
      tpu.enqueue_dma source(%dma_start3A_65 : memref<128x128xf32, #tpu.memory_space<vmem_shared>>) target(%dma_start3A_63 : memref<128x128xf32, #tpu.memory_space<hbm>>) target_semaphore(%run_scoped3A : memref<!tpu.dma_semaphore, #tpu.memory_space<semaphore_mem>>)
      %dma_wait3A_66 = arith.constant 0 : i32
      %dma_wait3A_67 = arith.constant 0 : i32
      %dma_wait3A_68 = tpu.memref_slice %arg4[%arg0, %dma_wait3A_66, %dma_wait3A_67] : memref<2x10240x128xf32, #tpu.memory_space<hbm>> -> memref<1x10240x128xf32, #tpu.memory_space<hbm>>
      %dma_wait3A_69 = tpu.memref_squeeze %dma_wait3A_68 : memref<1x10240x128xf32, #tpu.memory_space<hbm>> -> memref<10240x128xf32, #tpu.memory_space<hbm>>
      %dma_wait3A_70 = arith.constant 0 : i32
      %dma_wait3A_71 = tpu.memref_slice %dma_wait3A_69[%add3A_51, %dma_wait3A_70] : memref<10240x128xf32, #tpu.memory_space<hbm>> -> memref<128x128xf32, #tpu.memory_space<hbm>>
      %dma_wait3A_72 = arith.constant 0 : i32
      %dma_wait3A_73 = tpu.memref_slice %arg8[%add3A_51, %dma_wait3A_72] : memref<10240x128xf32, #tpu.memory_space<vmem_shared>> -> memref<128x128xf32, #tpu.memory_space<vmem_shared>>
      tpu.wait_dma2 semaphore(%run_scoped3A : memref<!tpu.dma_semaphore, #tpu.memory_space<semaphore_mem>>) src(%dma_wait3A_73 : memref<128x128xf32, #tpu.memory_space<vmem_shared>>) dst(%dma_wait3A_71 : memref<128x128xf32, #tpu.memory_space<hbm>>)
      tpu.yield
    }) : () -> ()
    %add3A_52 = arith.constant 384 : i32
    %add3A_53 = arith.addi %mul3A_2, %add3A_52 : i32
    "tpu.region"() ({
      %run_scoped3A = tpu.sem_alloc : memref<!tpu.dma_semaphore, #tpu.memory_space<semaphore_mem>>
      %dma_start3A_58 = arith.constant 0 : i32
      %dma_start3A_59 = arith.constant 0 : i32
      %dma_start3A_60 = tpu.memref_slice %arg4[%arg0, %dma_start3A_58, %dma_start3A_59] : memref<2x10240x128xf32, #tpu.memory_space<hbm>> -> memref<1x10240x128xf32, #tpu.memory_space<hbm>>
      %dma_start3A_61 = tpu.memref_squeeze %dma_start3A_60 : memref<1x10240x128xf32, #tpu.memory_space<hbm>> -> memref<10240x128xf32, #tpu.memory_space<hbm>>
      %dma_start3A_62 = arith.constant 0 : i32
      %dma_start3A_63 = tpu.memref_slice %dma_start3A_61[%add3A_53, %dma_start3A_62] : memref<10240x128xf32, #tpu.memory_space<hbm>> -> memref<128x128xf32, #tpu.memory_space<hbm>>
      %dma_start3A_64 = arith.constant 0 : i32
      %dma_start3A_65 = tpu.memref_slice %arg8[%add3A_53, %dma_start3A_64] : memref<10240x128xf32, #tpu.memory_space<vmem_shared>> -> memref<128x128xf32, #tpu.memory_space<vmem_shared>>
      tpu.enqueue_dma source(%dma_start3A_65 : memref<128x128xf32, #tpu.memory_space<vmem_shared>>) target(%dma_start3A_63 : memref<128x128xf32, #tpu.memory_space<hbm>>) target_semaphore(%run_scoped3A : memref<!tpu.dma_semaphore, #tpu.memory_space<semaphore_mem>>)
      %dma_wait3A_66 = arith.constant 0 : i32
      %dma_wait3A_67 = arith.constant 0 : i32
      %dma_wait3A_68 = tpu.memref_slice %arg4[%arg0, %dma_wait3A_66, %dma_wait3A_67] : memref<2x10240x128xf32, #tpu.memory_space<hbm>> -> memref<1x10240x128xf32, #tpu.memory_space<hbm>>
      %dma_wait3A_69 = tpu.memref_squeeze %dma_wait3A_68 : memref<1x10240x128xf32, #tpu.memory_space<hbm>> -> memref<10240x128xf32, #tpu.memory_space<hbm>>
      %dma_wait3A_70 = arith.constant 0 : i32
      %dma_wait3A_71 = tpu.memref_slice %dma_wait3A_69[%add3A_53, %dma_wait3A_70] : memref<10240x128xf32, #tpu.memory_space<hbm>> -> memref<128x128xf32, #tpu.memory_space<hbm>>
      %dma_wait3A_72 = arith.constant 0 : i32
      %dma_wait3A_73 = tpu.memref_slice %arg8[%add3A_53, %dma_wait3A_72] : memref<10240x128xf32, #tpu.memory_space<vmem_shared>> -> memref<128x128xf32, #tpu.memory_space<vmem_shared>>
      tpu.wait_dma2 semaphore(%run_scoped3A : memref<!tpu.dma_semaphore, #tpu.memory_space<semaphore_mem>>) src(%dma_wait3A_73 : memref<128x128xf32, #tpu.memory_space<vmem_shared>>) dst(%dma_wait3A_71 : memref<128x128xf32, #tpu.memory_space<hbm>>)
      tpu.yield
    }) : () -> ()
    %add3A_54 = arith.constant 512 : i32
    %add3A_55 = arith.addi %mul3A_2, %add3A_54 : i32
    "tpu.region"() ({
      %run_scoped3A = tpu.sem_alloc : memref<!tpu.dma_semaphore, #tpu.memory_space<semaphore_mem>>
      %dma_start3A_58 = arith.constant 0 : i32
      %dma_start3A_59 = arith.constant 0 : i32
      %dma_start3A_60 = tpu.memref_slice %arg4[%arg0, %dma_start3A_58, %dma_start3A_59] : memref<2x10240x128xf32, #tpu.memory_space<hbm>> -> memref<1x10240x128xf32, #tpu.memory_space<hbm>>
      %dma_start3A_61 = tpu.memref_squeeze %dma_start3A_60 : memref<1x10240x128xf32, #tpu.memory_space<hbm>> -> memref<10240x128xf32, #tpu.memory_space<hbm>>
      %dma_start3A_62 = arith.constant 0 : i32
      %dma_start3A_63 = tpu.memref_slice %dma_start3A_61[%add3A_55, %dma_start3A_62] : memref<10240x128xf32, #tpu.memory_space<hbm>> -> memref<128x128xf32, #tpu.memory_space<hbm>>
      %dma_start3A_64 = arith.constant 0 : i32
      %dma_start3A_65 = tpu.memref_slice %arg8[%add3A_55, %dma_start3A_64] : memref<10240x128xf32, #tpu.memory_space<vmem_shared>> -> memref<128x128xf32, #tpu.memory_space<vmem_shared>>
      tpu.enqueue_dma source(%dma_start3A_65 : memref<128x128xf32, #tpu.memory_space<vmem_shared>>) target(%dma_start3A_63 : memref<128x128xf32, #tpu.memory_space<hbm>>) target_semaphore(%run_scoped3A : memref<!tpu.dma_semaphore, #tpu.memory_space<semaphore_mem>>)
      %dma_wait3A_66 = arith.constant 0 : i32
      %dma_wait3A_67 = arith.constant 0 : i32
      %dma_wait3A_68 = tpu.memref_slice %arg4[%arg0, %dma_wait3A_66, %dma_wait3A_67] : memref<2x10240x128xf32, #tpu.memory_space<hbm>> -> memref<1x10240x128xf32, #tpu.memory_space<hbm>>
      %dma_wait3A_69 = tpu.memref_squeeze %dma_wait3A_68 : memref<1x10240x128xf32, #tpu.memory_space<hbm>> -> memref<10240x128xf32, #tpu.memory_space<hbm>>
      %dma_wait3A_70 = arith.constant 0 : i32
      %dma_wait3A_71 = tpu.memref_slice %dma_wait3A_69[%add3A_55, %dma_wait3A_70] : memref<10240x128xf32, #tpu.memory_space<hbm>> -> memref<128x128xf32, #tpu.memory_space<hbm>>
      %dma_wait3A_72 = arith.constant 0 : i32
      %dma_wait3A_73 = tpu.memref_slice %arg8[%add3A_55, %dma_wait3A_72] : memref<10240x128xf32, #tpu.memory_space<vmem_shared>> -> memref<128x128xf32, #tpu.memory_space<vmem_shared>>
      tpu.wait_dma2 semaphore(%run_scoped3A : memref<!tpu.dma_semaphore, #tpu.memory_space<semaphore_mem>>) src(%dma_wait3A_73 : memref<128x128xf32, #tpu.memory_space<vmem_shared>>) dst(%dma_wait3A_71 : memref<128x128xf32, #tpu.memory_space<hbm>>)
      tpu.yield
    }) : () -> ()
    %mul3A_56 = arith.constant 10240 : i32
    %mul3A_57 = arith.muli %add3A, %mul3A_56 : i32
    "tpu.region"() ({
      %run_scoped3A = tpu.sem_alloc : memref<!tpu.dma_semaphore, #tpu.memory_space<semaphore_mem>>
      %dma_start3A_58 = tpu.memref_slice %arg5[%mul3A_57] : memref<327680xf32, #tpu.memory_space<hbm>> -> memref<10240xf32, #tpu.memory_space<hbm>>
      %dma_start3A_59 = tpu.memref_slice %arg5[%mul3A_57] : memref<327680xf32, #tpu.memory_space<hbm>> -> memref<10240xf32, #tpu.memory_space<hbm>>
      tpu.enqueue_dma source(%arg10 : memref<10240xf32, #tpu.memory_space<vmem>>) target(%dma_start3A_59 : memref<10240xf32, #tpu.memory_space<hbm>>) target_semaphore(%run_scoped3A : memref<!tpu.dma_semaphore, #tpu.memory_space<semaphore_mem>>)
      %dma_wait3A_60 = tpu.memref_slice %arg5[%mul3A_57] : memref<327680xf32, #tpu.memory_space<hbm>> -> memref<10240xf32, #tpu.memory_space<hbm>>
      %dma_wait3A_61 = tpu.memref_slice %arg5[%mul3A_57] : memref<327680xf32, #tpu.memory_space<hbm>> -> memref<10240xf32, #tpu.memory_space<hbm>>
      tpu.wait_dma2 semaphore(%run_scoped3A : memref<!tpu.dma_semaphore, #tpu.memory_space<semaphore_mem>>) src(%arg10 : memref<10240xf32, #tpu.memory_space<vmem>>) dst(%dma_wait3A_61 : memref<10240xf32, #tpu.memory_space<hbm>>)
      tpu.yield
    }) : () -> ()
    return
  }
}

#map = affine_map<(d0, d1) -> (0, 0)>
#map1 = affine_map<(d0, d1) -> (0, 0, 0, 0)>
#map2 = affine_map<(d0, d1) -> (0, 0, 0)>
module attributes {stable_mosaic.version = 14 : i64} {
  func.func @agg_kernel(%arg0: i32, %arg1: i32, %arg2: memref<10000x128xf32, #tpu.memory_space<hbm>>, %arg3: memref<32x79x2x128xi32, #tpu.memory_space<hbm>>, %arg4: memref<2x10240x128xf32, #tpu.memory_space<hbm>>, %arg5: memref<79x2x128xi32, #tpu.memory_space<vmem>>, %arg6: memref<128x128xf32, #tpu.memory_space<vmem>>, %arg7: memref<10240x128xf32, #tpu.memory_space<vmem_shared>>, %arg8: memref<!tpu.dma_semaphore, #tpu.memory_space<semaphore_mem>>) attributes {dimension_semantics = [#tpu.dimension_semantics<core_parallel>, #tpu.dimension_semantics<subcore_parallel>], iteration_bounds = array<i64: 2, 16>, scalar_prefetch = 0 : i64, scratch_operands = 4 : i64, tpu.core_type = #tpu.core_type<sc_vector_subcore>, window_params = [{transform_indices = #map}, {transform_indices = #map1}, {transform_indices = #map2}]} {
    %mul3A = arith.constant 16 : i32
    %mul3A_0 = arith.muli %arg0, %mul3A : i32
    %add3A = arith.addi %mul3A_0, %arg1 : i32
    %mul3A_1 = arith.constant 640 : i32
    %mul3A_2 = arith.muli %arg1, %mul3A_1 : i32
    %dma_start3A = arith.constant 0 : i32
    %dma_start3A_3 = arith.constant 0 : i32
    %dma_start3A_4 = arith.constant 0 : i32
    %dma_start3A_5 = tpu.memref_slice %arg3[%add3A, %dma_start3A, %dma_start3A_3, %dma_start3A_4] : memref<32x79x2x128xi32, #tpu.memory_space<hbm>> -> memref<1x79x2x128xi32, #tpu.memory_space<hbm>>
    %dma_start3A_6 = tpu.memref_squeeze %dma_start3A_5 : memref<1x79x2x128xi32, #tpu.memory_space<hbm>> -> memref<79x2x128xi32, #tpu.memory_space<hbm>>
    %dma_start3A_7 = arith.constant 0 : i32
    %dma_start3A_8 = arith.constant 0 : i32
    %dma_start3A_9 = arith.constant 0 : i32
    %dma_start3A_10 = tpu.memref_slice %arg3[%add3A, %dma_start3A_7, %dma_start3A_8, %dma_start3A_9] : memref<32x79x2x128xi32, #tpu.memory_space<hbm>> -> memref<1x79x2x128xi32, #tpu.memory_space<hbm>>
    %dma_start3A_11 = tpu.memref_squeeze %dma_start3A_10 : memref<1x79x2x128xi32, #tpu.memory_space<hbm>> -> memref<79x2x128xi32, #tpu.memory_space<hbm>>
    tpu.enqueue_dma source(%dma_start3A_11 : memref<79x2x128xi32, #tpu.memory_space<hbm>>) target(%arg5 : memref<79x2x128xi32, #tpu.memory_space<vmem>>) target_semaphore(%arg8 : memref<!tpu.dma_semaphore, #tpu.memory_space<semaphore_mem>>)
    %scan3A = arith.constant 0 : i32
    %scan3A_12 = arith.constant 128 : i32
    %scan3A_13 = arith.addi %scan3A, %scan3A_12 : i32
    %scan3A_14 = arith.constant 1 : i32
    scf.for %scan3A_51 = %scan3A to %scan3A_13 step %scan3A_14  : i32 {
      %mul3A_52 = arith.constant 1 : i32
      %mul3A_53 = arith.muli %scan3A_51, %mul3A_52 : i32
      %add3A_54 = arith.constant 0 : i32
      %add3A_55 = arith.addi %add3A_54, %mul3A_53 : i32
      %scan3A_56 = arith.constant 0 : i32
      %scan3A_57 = arith.constant 8 : i32
      %scan3A_58 = arith.addi %scan3A_56, %scan3A_57 : i32
      %scan3A_59 = arith.constant 1 : i32
      scf.for %scan3A_61 = %scan3A_56 to %scan3A_58 step %scan3A_59  : i32 {
        %mul3A_62 = arith.constant 16 : i32
        %mul3A_63 = arith.muli %scan3A_61, %mul3A_62 : i32
        %add3A_64 = arith.constant 0 : i32
        %add3A_65 = arith.addi %add3A_64, %mul3A_63 : i32
        %broadcast_in_dim3A = arith.constant 0.000000e+00 : f32
        %broadcast_in_dim3A_66 = vector.broadcast %broadcast_in_dim3A : f32 to vector<16xf32>
        %swap3A = arith.index_cast %add3A_55 : i32 to index
        %swap3A_67 = arith.index_cast %add3A_65 : i32 to index
        %swap3A_68 = tpu.vector_load %arg6[%swap3A, %swap3A_67] {strides = array<i32>} : memref<128x128xf32, #tpu.memory_space<vmem>>, vector<16xf32>,
        tpu.vector_store %arg6[%swap3A, %swap3A_67], %broadcast_in_dim3A_66 {strides = array<i32>} : memref<128x128xf32, #tpu.memory_space<vmem>>, vector<16xf32>,
      }
      %scan3A_60 = arith.constant 8 : i32
    }
    %scan3A_15 = arith.constant 128 : i32
    %add3A_16 = arith.constant 0 : i32
    %add3A_17 = arith.addi %mul3A_2, %add3A_16 : i32
    "tpu.region"() ({
      %run_scoped3A = tpu.sem_alloc : memref<!tpu.dma_semaphore, #tpu.memory_space<semaphore_mem>>
      %dma_start3A_51 = arith.constant 0 : i32
      %dma_start3A_52 = tpu.memref_slice %arg7[%add3A_17, %dma_start3A_51] : memref<10240x128xf32, #tpu.memory_space<vmem_shared>> -> memref<128x128xf32, #tpu.memory_space<vmem_shared>>
      %dma_start3A_53 = arith.constant 0 : i32
      %dma_start3A_54 = tpu.memref_slice %arg7[%add3A_17, %dma_start3A_53] : memref<10240x128xf32, #tpu.memory_space<vmem_shared>> -> memref<128x128xf32, #tpu.memory_space<vmem_shared>>
      tpu.enqueue_dma source(%arg6 : memref<128x128xf32, #tpu.memory_space<vmem>>) target(%dma_start3A_54 : memref<128x128xf32, #tpu.memory_space<vmem_shared>>) target_semaphore(%run_scoped3A : memref<!tpu.dma_semaphore, #tpu.memory_space<semaphore_mem>>)
      %dma_wait3A_55 = arith.constant 0 : i32
      %dma_wait3A_56 = tpu.memref_slice %arg7[%add3A_17, %dma_wait3A_55] : memref<10240x128xf32, #tpu.memory_space<vmem_shared>> -> memref<128x128xf32, #tpu.memory_space<vmem_shared>>
      %dma_wait3A_57 = arith.constant 0 : i32
      %dma_wait3A_58 = tpu.memref_slice %arg7[%add3A_17, %dma_wait3A_57] : memref<10240x128xf32, #tpu.memory_space<vmem_shared>> -> memref<128x128xf32, #tpu.memory_space<vmem_shared>>
      tpu.wait_dma2 semaphore(%run_scoped3A : memref<!tpu.dma_semaphore, #tpu.memory_space<semaphore_mem>>) src(%arg6 : memref<128x128xf32, #tpu.memory_space<vmem>>) dst(%dma_wait3A_58 : memref<128x128xf32, #tpu.memory_space<vmem_shared>>)
      tpu.yield
    }) : () -> ()
    %add3A_18 = arith.constant 128 : i32
    %add3A_19 = arith.addi %mul3A_2, %add3A_18 : i32
    "tpu.region"() ({
      %run_scoped3A = tpu.sem_alloc : memref<!tpu.dma_semaphore, #tpu.memory_space<semaphore_mem>>
      %dma_start3A_51 = arith.constant 0 : i32
      %dma_start3A_52 = tpu.memref_slice %arg7[%add3A_19, %dma_start3A_51] : memref<10240x128xf32, #tpu.memory_space<vmem_shared>> -> memref<128x128xf32, #tpu.memory_space<vmem_shared>>
      %dma_start3A_53 = arith.constant 0 : i32
      %dma_start3A_54 = tpu.memref_slice %arg7[%add3A_19, %dma_start3A_53] : memref<10240x128xf32, #tpu.memory_space<vmem_shared>> -> memref<128x128xf32, #tpu.memory_space<vmem_shared>>
      tpu.enqueue_dma source(%arg6 : memref<128x128xf32, #tpu.memory_space<vmem>>) target(%dma_start3A_54 : memref<128x128xf32, #tpu.memory_space<vmem_shared>>) target_semaphore(%run_scoped3A : memref<!tpu.dma_semaphore, #tpu.memory_space<semaphore_mem>>)
      %dma_wait3A_55 = arith.constant 0 : i32
      %dma_wait3A_56 = tpu.memref_slice %arg7[%add3A_19, %dma_wait3A_55] : memref<10240x128xf32, #tpu.memory_space<vmem_shared>> -> memref<128x128xf32, #tpu.memory_space<vmem_shared>>
      %dma_wait3A_57 = arith.constant 0 : i32
      %dma_wait3A_58 = tpu.memref_slice %arg7[%add3A_19, %dma_wait3A_57] : memref<10240x128xf32, #tpu.memory_space<vmem_shared>> -> memref<128x128xf32, #tpu.memory_space<vmem_shared>>
      tpu.wait_dma2 semaphore(%run_scoped3A : memref<!tpu.dma_semaphore, #tpu.memory_space<semaphore_mem>>) src(%arg6 : memref<128x128xf32, #tpu.memory_space<vmem>>) dst(%dma_wait3A_58 : memref<128x128xf32, #tpu.memory_space<vmem_shared>>)
      tpu.yield
    }) : () -> ()
    %add3A_20 = arith.constant 256 : i32
    %add3A_21 = arith.addi %mul3A_2, %add3A_20 : i32
    "tpu.region"() ({
      %run_scoped3A = tpu.sem_alloc : memref<!tpu.dma_semaphore, #tpu.memory_space<semaphore_mem>>
      %dma_start3A_51 = arith.constant 0 : i32
      %dma_start3A_52 = tpu.memref_slice %arg7[%add3A_21, %dma_start3A_51] : memref<10240x128xf32, #tpu.memory_space<vmem_shared>> -> memref<128x128xf32, #tpu.memory_space<vmem_shared>>
      %dma_start3A_53 = arith.constant 0 : i32
      %dma_start3A_54 = tpu.memref_slice %arg7[%add3A_21, %dma_start3A_53] : memref<10240x128xf32, #tpu.memory_space<vmem_shared>> -> memref<128x128xf32, #tpu.memory_space<vmem_shared>>
      tpu.enqueue_dma source(%arg6 : memref<128x128xf32, #tpu.memory_space<vmem>>) target(%dma_start3A_54 : memref<128x128xf32, #tpu.memory_space<vmem_shared>>) target_semaphore(%run_scoped3A : memref<!tpu.dma_semaphore, #tpu.memory_space<semaphore_mem>>)
      %dma_wait3A_55 = arith.constant 0 : i32
      %dma_wait3A_56 = tpu.memref_slice %arg7[%add3A_21, %dma_wait3A_55] : memref<10240x128xf32, #tpu.memory_space<vmem_shared>> -> memref<128x128xf32, #tpu.memory_space<vmem_shared>>
      %dma_wait3A_57 = arith.constant 0 : i32
      %dma_wait3A_58 = tpu.memref_slice %arg7[%add3A_21, %dma_wait3A_57] : memref<10240x128xf32, #tpu.memory_space<vmem_shared>> -> memref<128x128xf32, #tpu.memory_space<vmem_shared>>
      tpu.wait_dma2 semaphore(%run_scoped3A : memref<!tpu.dma_semaphore, #tpu.memory_space<semaphore_mem>>) src(%arg6 : memref<128x128xf32, #tpu.memory_space<vmem>>) dst(%dma_wait3A_58 : memref<128x128xf32, #tpu.memory_space<vmem_shared>>)
      tpu.yield
    }) : () -> ()
    %add3A_22 = arith.constant 384 : i32
    %add3A_23 = arith.addi %mul3A_2, %add3A_22 : i32
    "tpu.region"() ({
      %run_scoped3A = tpu.sem_alloc : memref<!tpu.dma_semaphore, #tpu.memory_space<semaphore_mem>>
      %dma_start3A_51 = arith.constant 0 : i32
      %dma_start3A_52 = tpu.memref_slice %arg7[%add3A_23, %dma_start3A_51] : memref<10240x128xf32, #tpu.memory_space<vmem_shared>> -> memref<128x128xf32, #tpu.memory_space<vmem_shared>>
      %dma_start3A_53 = arith.constant 0 : i32
      %dma_start3A_54 = tpu.memref_slice %arg7[%add3A_23, %dma_start3A_53] : memref<10240x128xf32, #tpu.memory_space<vmem_shared>> -> memref<128x128xf32, #tpu.memory_space<vmem_shared>>
      tpu.enqueue_dma source(%arg6 : memref<128x128xf32, #tpu.memory_space<vmem>>) target(%dma_start3A_54 : memref<128x128xf32, #tpu.memory_space<vmem_shared>>) target_semaphore(%run_scoped3A : memref<!tpu.dma_semaphore, #tpu.memory_space<semaphore_mem>>)
      %dma_wait3A_55 = arith.constant 0 : i32
      %dma_wait3A_56 = tpu.memref_slice %arg7[%add3A_23, %dma_wait3A_55] : memref<10240x128xf32, #tpu.memory_space<vmem_shared>> -> memref<128x128xf32, #tpu.memory_space<vmem_shared>>
      %dma_wait3A_57 = arith.constant 0 : i32
      %dma_wait3A_58 = tpu.memref_slice %arg7[%add3A_23, %dma_wait3A_57] : memref<10240x128xf32, #tpu.memory_space<vmem_shared>> -> memref<128x128xf32, #tpu.memory_space<vmem_shared>>
      tpu.wait_dma2 semaphore(%run_scoped3A : memref<!tpu.dma_semaphore, #tpu.memory_space<semaphore_mem>>) src(%arg6 : memref<128x128xf32, #tpu.memory_space<vmem>>) dst(%dma_wait3A_58 : memref<128x128xf32, #tpu.memory_space<vmem_shared>>)
      tpu.yield
    }) : () -> ()
    %add3A_24 = arith.constant 512 : i32
    %add3A_25 = arith.addi %mul3A_2, %add3A_24 : i32
    "tpu.region"() ({
      %run_scoped3A = tpu.sem_alloc : memref<!tpu.dma_semaphore, #tpu.memory_space<semaphore_mem>>
      %dma_start3A_51 = arith.constant 0 : i32
      %dma_start3A_52 = tpu.memref_slice %arg7[%add3A_25, %dma_start3A_51] : memref<10240x128xf32, #tpu.memory_space<vmem_shared>> -> memref<128x128xf32, #tpu.memory_space<vmem_shared>>
      %dma_start3A_53 = arith.constant 0 : i32
      %dma_start3A_54 = tpu.memref_slice %arg7[%add3A_25, %dma_start3A_53] : memref<10240x128xf32, #tpu.memory_space<vmem_shared>> -> memref<128x128xf32, #tpu.memory_space<vmem_shared>>
      tpu.enqueue_dma source(%arg6 : memref<128x128xf32, #tpu.memory_space<vmem>>) target(%dma_start3A_54 : memref<128x128xf32, #tpu.memory_space<vmem_shared>>) target_semaphore(%run_scoped3A : memref<!tpu.dma_semaphore, #tpu.memory_space<semaphore_mem>>)
      %dma_wait3A_55 = arith.constant 0 : i32
      %dma_wait3A_56 = tpu.memref_slice %arg7[%add3A_25, %dma_wait3A_55] : memref<10240x128xf32, #tpu.memory_space<vmem_shared>> -> memref<128x128xf32, #tpu.memory_space<vmem_shared>>
      %dma_wait3A_57 = arith.constant 0 : i32
      %dma_wait3A_58 = tpu.memref_slice %arg7[%add3A_25, %dma_wait3A_57] : memref<10240x128xf32, #tpu.memory_space<vmem_shared>> -> memref<128x128xf32, #tpu.memory_space<vmem_shared>>
      tpu.wait_dma2 semaphore(%run_scoped3A : memref<!tpu.dma_semaphore, #tpu.memory_space<semaphore_mem>>) src(%arg6 : memref<128x128xf32, #tpu.memory_space<vmem>>) dst(%dma_wait3A_58 : memref<128x128xf32, #tpu.memory_space<vmem_shared>>)
      tpu.yield
    }) : () -> ()
    %dma_wait3A = arith.constant 0 : i32
    %dma_wait3A_26 = arith.constant 0 : i32
    %dma_wait3A_27 = arith.constant 0 : i32
    %dma_wait3A_28 = tpu.memref_slice %arg3[%add3A, %dma_wait3A, %dma_wait3A_26, %dma_wait3A_27] : memref<32x79x2x128xi32, #tpu.memory_space<hbm>> -> memref<1x79x2x128xi32, #tpu.memory_space<hbm>>
    %dma_wait3A_29 = tpu.memref_squeeze %dma_wait3A_28 : memref<1x79x2x128xi32, #tpu.memory_space<hbm>> -> memref<79x2x128xi32, #tpu.memory_space<hbm>>
    %dma_wait3A_30 = arith.constant 0 : i32
    %dma_wait3A_31 = arith.constant 0 : i32
    %dma_wait3A_32 = arith.constant 0 : i32
    %dma_wait3A_33 = tpu.memref_slice %arg3[%add3A, %dma_wait3A_30, %dma_wait3A_31, %dma_wait3A_32] : memref<32x79x2x128xi32, #tpu.memory_space<hbm>> -> memref<1x79x2x128xi32, #tpu.memory_space<hbm>>
    %dma_wait3A_34 = tpu.memref_squeeze %dma_wait3A_33 : memref<1x79x2x128xi32, #tpu.memory_space<hbm>> -> memref<79x2x128xi32, #tpu.memory_space<hbm>>
    tpu.wait_dma2 semaphore(%arg8 : memref<!tpu.dma_semaphore, #tpu.memory_space<semaphore_mem>>) src(%dma_wait3A_34 : memref<79x2x128xi32, #tpu.memory_space<hbm>>) dst(%arg5 : memref<79x2x128xi32, #tpu.memory_space<vmem>>)
    %barrier3A = arith.constant 0 : index
    tpu.barrier barrier_id(%barrier3A)
    %scan3A_35 = arith.constant 0 : i32
    %scan3A_36 = arith.constant 79 : i32
    %scan3A_37 = arith.addi %scan3A_35, %scan3A_36 : i32
    %scan3A_38 = arith.constant 1 : i32
    scf.for %scan3A_51 = %scan3A_35 to %scan3A_37 step %scan3A_38  : i32 {
      %mul3A_52 = arith.constant 1 : i32
      %mul3A_53 = arith.muli %scan3A_51, %mul3A_52 : i32
      %add3A_54 = arith.constant 0 : i32
      %add3A_55 = arith.addi %add3A_54, %mul3A_53 : i32
      %dma_start3A_56 = arith.constant 0 : i32
      %dma_start3A_57 = arith.constant 0 : i32
      %dma_start3A_58 = tpu.memref_slice %arg5[%add3A_55, %dma_start3A_56, %dma_start3A_57] : memref<79x2x128xi32, #tpu.memory_space<vmem>> -> memref<1x1x128xi32, #tpu.memory_space<vmem>>
      %dma_start3A_59 = tpu.memref_squeeze %dma_start3A_58 : memref<1x1x128xi32, #tpu.memory_space<vmem>> -> memref<128xi32, #tpu.memory_space<vmem>>
      %dma_start3A_60 = arith.constant 0 : i32
      %dma_start3A_61 = arith.constant 0 : i32
      %dma_start3A_62 = tpu.memref_slice %arg2[%dma_start3A_60, %dma_start3A_61] : memref<10000x128xf32, #tpu.memory_space<hbm>> -> memref<10000x128xf32, #tpu.memory_space<hbm>>
      tpu.enqueue_indirect_dma source(%dma_start3A_62 : memref<10000x128xf32, #tpu.memory_space<hbm>>) target(%arg6 : memref<128x128xf32, #tpu.memory_space<vmem>>) offsets(%dma_start3A_59 : memref<128xi32, #tpu.memory_space<vmem>>) semaphore(%arg8 : memref<!tpu.dma_semaphore, #tpu.memory_space<semaphore_mem>>)
      %dma_wait3A_63 = arith.constant 0 : i32
      %dma_wait3A_64 = arith.constant 0 : i32
      %dma_wait3A_65 = tpu.memref_slice %arg5[%add3A_55, %dma_wait3A_63, %dma_wait3A_64] : memref<79x2x128xi32, #tpu.memory_space<vmem>> -> memref<1x1x128xi32, #tpu.memory_space<vmem>>
      %dma_wait3A_66 = tpu.memref_squeeze %dma_wait3A_65 : memref<1x1x128xi32, #tpu.memory_space<vmem>> -> memref<128xi32, #tpu.memory_space<vmem>>
      %dma_wait3A_67 = arith.constant 0 : i32
      %dma_wait3A_68 = arith.constant 0 : i32
      %dma_wait3A_69 = tpu.memref_slice %arg2[%dma_wait3A_67, %dma_wait3A_68] : memref<10000x128xf32, #tpu.memory_space<hbm>> -> memref<10000x128xf32, #tpu.memory_space<hbm>>
      tpu.wait_indirect_dma semaphore(%arg8 : memref<!tpu.dma_semaphore, #tpu.memory_space<semaphore_mem>>) src(%dma_wait3A_69 : memref<10000x128xf32, #tpu.memory_space<hbm>>) dst(%arg6 : memref<128x128xf32, #tpu.memory_space<vmem>>)
      %run_scoped3A = arith.constant 1 : i32
      "tpu.region"() ({
        %run_scoped3A_70 = tpu.sem_alloc : memref<!tpu.dma_semaphore, #tpu.memory_space<semaphore_mem>>
        %dma_start3A_71 = arith.constant 0 : i32
        %dma_start3A_72 = tpu.memref_slice %arg5[%add3A_55, %run_scoped3A, %dma_start3A_71] : memref<79x2x128xi32, #tpu.memory_space<vmem>> -> memref<1x1x128xi32, #tpu.memory_space<vmem>>
        %dma_start3A_73 = tpu.memref_squeeze %dma_start3A_72 : memref<1x1x128xi32, #tpu.memory_space<vmem>> -> memref<128xi32, #tpu.memory_space<vmem>>
        %dma_start3A_74 = arith.constant 0 : i32
        %dma_start3A_75 = arith.constant 0 : i32
        %dma_start3A_76 = tpu.memref_slice %arg7[%dma_start3A_74, %dma_start3A_75] : memref<10240x128xf32, #tpu.memory_space<vmem_shared>> -> memref<10240x128xf32, #tpu.memory_space<vmem_shared>>
        tpu.enqueue_indirect_dma source(%arg6 : memref<128x128xf32, #tpu.memory_space<vmem>>) target(%dma_start3A_76 : memref<10240x128xf32, #tpu.memory_space<vmem_shared>>) offsets(%dma_start3A_73 : memref<128xi32, #tpu.memory_space<vmem>>) semaphore(%run_scoped3A_70 : memref<!tpu.dma_semaphore, #tpu.memory_space<semaphore_mem>>) {add = true}
        %dma_wait3A_77 = arith.constant 0 : i32
        %dma_wait3A_78 = tpu.memref_slice %arg5[%add3A_55, %run_scoped3A, %dma_wait3A_77] : memref<79x2x128xi32, #tpu.memory_space<vmem>> -> memref<1x1x128xi32, #tpu.memory_space<vmem>>
        %dma_wait3A_79 = tpu.memref_squeeze %dma_wait3A_78 : memref<1x1x128xi32, #tpu.memory_space<vmem>> -> memref<128xi32, #tpu.memory_space<vmem>>
        %dma_wait3A_80 = arith.constant 0 : i32
        %dma_wait3A_81 = arith.constant 0 : i32
        %dma_wait3A_82 = tpu.memref_slice %arg7[%dma_wait3A_80, %dma_wait3A_81] : memref<10240x128xf32, #tpu.memory_space<vmem_shared>> -> memref<10240x128xf32, #tpu.memory_space<vmem_shared>>
        tpu.wait_indirect_dma semaphore(%run_scoped3A_70 : memref<!tpu.dma_semaphore, #tpu.memory_space<semaphore_mem>>) src(%arg6 : memref<128x128xf32, #tpu.memory_space<vmem>>) dst(%dma_wait3A_82 : memref<10240x128xf32, #tpu.memory_space<vmem_shared>>)
        tpu.yield
      }) : () -> ()
    }
    %scan3A_39 = arith.constant 79 : i32
    %barrier3A_40 = arith.constant 0 : index
    tpu.barrier barrier_id(%barrier3A_40)
    %add3A_41 = arith.constant 0 : i32
    %add3A_42 = arith.addi %mul3A_2, %add3A_41 : i32
    "tpu.region"() ({
      %run_scoped3A = tpu.sem_alloc : memref<!tpu.dma_semaphore, #tpu.memory_space<semaphore_mem>>
      %dma_start3A_51 = arith.constant 0 : i32
      %dma_start3A_52 = arith.constant 0 : i32
      %dma_start3A_53 = tpu.memref_slice %arg4[%arg0, %dma_start3A_51, %dma_start3A_52] : memref<2x10240x128xf32, #tpu.memory_space<hbm>> -> memref<1x10240x128xf32, #tpu.memory_space<hbm>>
      %dma_start3A_54 = tpu.memref_squeeze %dma_start3A_53 : memref<1x10240x128xf32, #tpu.memory_space<hbm>> -> memref<10240x128xf32, #tpu.memory_space<hbm>>
      %dma_start3A_55 = arith.constant 0 : i32
      %dma_start3A_56 = tpu.memref_slice %dma_start3A_54[%add3A_42, %dma_start3A_55] : memref<10240x128xf32, #tpu.memory_space<hbm>> -> memref<128x128xf32, #tpu.memory_space<hbm>>
      %dma_start3A_57 = arith.constant 0 : i32
      %dma_start3A_58 = tpu.memref_slice %arg7[%add3A_42, %dma_start3A_57] : memref<10240x128xf32, #tpu.memory_space<vmem_shared>> -> memref<128x128xf32, #tpu.memory_space<vmem_shared>>
      tpu.enqueue_dma source(%dma_start3A_58 : memref<128x128xf32, #tpu.memory_space<vmem_shared>>) target(%dma_start3A_56 : memref<128x128xf32, #tpu.memory_space<hbm>>) target_semaphore(%run_scoped3A : memref<!tpu.dma_semaphore, #tpu.memory_space<semaphore_mem>>)
      %dma_wait3A_59 = arith.constant 0 : i32
      %dma_wait3A_60 = arith.constant 0 : i32
      %dma_wait3A_61 = tpu.memref_slice %arg4[%arg0, %dma_wait3A_59, %dma_wait3A_60] : memref<2x10240x128xf32, #tpu.memory_space<hbm>> -> memref<1x10240x128xf32, #tpu.memory_space<hbm>>
      %dma_wait3A_62 = tpu.memref_squeeze %dma_wait3A_61 : memref<1x10240x128xf32, #tpu.memory_space<hbm>> -> memref<10240x128xf32, #tpu.memory_space<hbm>>
      %dma_wait3A_63 = arith.constant 0 : i32
      %dma_wait3A_64 = tpu.memref_slice %dma_wait3A_62[%add3A_42, %dma_wait3A_63] : memref<10240x128xf32, #tpu.memory_space<hbm>> -> memref<128x128xf32, #tpu.memory_space<hbm>>
      %dma_wait3A_65 = arith.constant 0 : i32
      %dma_wait3A_66 = tpu.memref_slice %arg7[%add3A_42, %dma_wait3A_65] : memref<10240x128xf32, #tpu.memory_space<vmem_shared>> -> memref<128x128xf32, #tpu.memory_space<vmem_shared>>
      tpu.wait_dma2 semaphore(%run_scoped3A : memref<!tpu.dma_semaphore, #tpu.memory_space<semaphore_mem>>) src(%dma_wait3A_66 : memref<128x128xf32, #tpu.memory_space<vmem_shared>>) dst(%dma_wait3A_64 : memref<128x128xf32, #tpu.memory_space<hbm>>)
      tpu.yield
    }) : () -> ()
    %add3A_43 = arith.constant 128 : i32
    %add3A_44 = arith.addi %mul3A_2, %add3A_43 : i32
    "tpu.region"() ({
      %run_scoped3A = tpu.sem_alloc : memref<!tpu.dma_semaphore, #tpu.memory_space<semaphore_mem>>
      %dma_start3A_51 = arith.constant 0 : i32
      %dma_start3A_52 = arith.constant 0 : i32
      %dma_start3A_53 = tpu.memref_slice %arg4[%arg0, %dma_start3A_51, %dma_start3A_52] : memref<2x10240x128xf32, #tpu.memory_space<hbm>> -> memref<1x10240x128xf32, #tpu.memory_space<hbm>>
      %dma_start3A_54 = tpu.memref_squeeze %dma_start3A_53 : memref<1x10240x128xf32, #tpu.memory_space<hbm>> -> memref<10240x128xf32, #tpu.memory_space<hbm>>
      %dma_start3A_55 = arith.constant 0 : i32
      %dma_start3A_56 = tpu.memref_slice %dma_start3A_54[%add3A_44, %dma_start3A_55] : memref<10240x128xf32, #tpu.memory_space<hbm>> -> memref<128x128xf32, #tpu.memory_space<hbm>>
      %dma_start3A_57 = arith.constant 0 : i32
      %dma_start3A_58 = tpu.memref_slice %arg7[%add3A_44, %dma_start3A_57] : memref<10240x128xf32, #tpu.memory_space<vmem_shared>> -> memref<128x128xf32, #tpu.memory_space<vmem_shared>>
      tpu.enqueue_dma source(%dma_start3A_58 : memref<128x128xf32, #tpu.memory_space<vmem_shared>>) target(%dma_start3A_56 : memref<128x128xf32, #tpu.memory_space<hbm>>) target_semaphore(%run_scoped3A : memref<!tpu.dma_semaphore, #tpu.memory_space<semaphore_mem>>)
      %dma_wait3A_59 = arith.constant 0 : i32
      %dma_wait3A_60 = arith.constant 0 : i32
      %dma_wait3A_61 = tpu.memref_slice %arg4[%arg0, %dma_wait3A_59, %dma_wait3A_60] : memref<2x10240x128xf32, #tpu.memory_space<hbm>> -> memref<1x10240x128xf32, #tpu.memory_space<hbm>>
      %dma_wait3A_62 = tpu.memref_squeeze %dma_wait3A_61 : memref<1x10240x128xf32, #tpu.memory_space<hbm>> -> memref<10240x128xf32, #tpu.memory_space<hbm>>
      %dma_wait3A_63 = arith.constant 0 : i32
      %dma_wait3A_64 = tpu.memref_slice %dma_wait3A_62[%add3A_44, %dma_wait3A_63] : memref<10240x128xf32, #tpu.memory_space<hbm>> -> memref<128x128xf32, #tpu.memory_space<hbm>>
      %dma_wait3A_65 = arith.constant 0 : i32
      %dma_wait3A_66 = tpu.memref_slice %arg7[%add3A_44, %dma_wait3A_65] : memref<10240x128xf32, #tpu.memory_space<vmem_shared>> -> memref<128x128xf32, #tpu.memory_space<vmem_shared>>
      tpu.wait_dma2 semaphore(%run_scoped3A : memref<!tpu.dma_semaphore, #tpu.memory_space<semaphore_mem>>) src(%dma_wait3A_66 : memref<128x128xf32, #tpu.memory_space<vmem_shared>>) dst(%dma_wait3A_64 : memref<128x128xf32, #tpu.memory_space<hbm>>)
      tpu.yield
    }) : () -> ()
    %add3A_45 = arith.constant 256 : i32
    %add3A_46 = arith.addi %mul3A_2, %add3A_45 : i32
    "tpu.region"() ({
      %run_scoped3A = tpu.sem_alloc : memref<!tpu.dma_semaphore, #tpu.memory_space<semaphore_mem>>
      %dma_start3A_51 = arith.constant 0 : i32
      %dma_start3A_52 = arith.constant 0 : i32
      %dma_start3A_53 = tpu.memref_slice %arg4[%arg0, %dma_start3A_51, %dma_start3A_52] : memref<2x10240x128xf32, #tpu.memory_space<hbm>> -> memref<1x10240x128xf32, #tpu.memory_space<hbm>>
      %dma_start3A_54 = tpu.memref_squeeze %dma_start3A_53 : memref<1x10240x128xf32, #tpu.memory_space<hbm>> -> memref<10240x128xf32, #tpu.memory_space<hbm>>
      %dma_start3A_55 = arith.constant 0 : i32
      %dma_start3A_56 = tpu.memref_slice %dma_start3A_54[%add3A_46, %dma_start3A_55] : memref<10240x128xf32, #tpu.memory_space<hbm>> -> memref<128x128xf32, #tpu.memory_space<hbm>>
      %dma_start3A_57 = arith.constant 0 : i32
      %dma_start3A_58 = tpu.memref_slice %arg7[%add3A_46, %dma_start3A_57] : memref<10240x128xf32, #tpu.memory_space<vmem_shared>> -> memref<128x128xf32, #tpu.memory_space<vmem_shared>>
      tpu.enqueue_dma source(%dma_start3A_58 : memref<128x128xf32, #tpu.memory_space<vmem_shared>>) target(%dma_start3A_56 : memref<128x128xf32, #tpu.memory_space<hbm>>) target_semaphore(%run_scoped3A : memref<!tpu.dma_semaphore, #tpu.memory_space<semaphore_mem>>)
      %dma_wait3A_59 = arith.constant 0 : i32
      %dma_wait3A_60 = arith.constant 0 : i32
      %dma_wait3A_61 = tpu.memref_slice %arg4[%arg0, %dma_wait3A_59, %dma_wait3A_60] : memref<2x10240x128xf32, #tpu.memory_space<hbm>> -> memref<1x10240x128xf32, #tpu.memory_space<hbm>>
      %dma_wait3A_62 = tpu.memref_squeeze %dma_wait3A_61 : memref<1x10240x128xf32, #tpu.memory_space<hbm>> -> memref<10240x128xf32, #tpu.memory_space<hbm>>
      %dma_wait3A_63 = arith.constant 0 : i32
      %dma_wait3A_64 = tpu.memref_slice %dma_wait3A_62[%add3A_46, %dma_wait3A_63] : memref<10240x128xf32, #tpu.memory_space<hbm>> -> memref<128x128xf32, #tpu.memory_space<hbm>>
      %dma_wait3A_65 = arith.constant 0 : i32
      %dma_wait3A_66 = tpu.memref_slice %arg7[%add3A_46, %dma_wait3A_65] : memref<10240x128xf32, #tpu.memory_space<vmem_shared>> -> memref<128x128xf32, #tpu.memory_space<vmem_shared>>
      tpu.wait_dma2 semaphore(%run_scoped3A : memref<!tpu.dma_semaphore, #tpu.memory_space<semaphore_mem>>) src(%dma_wait3A_66 : memref<128x128xf32, #tpu.memory_space<vmem_shared>>) dst(%dma_wait3A_64 : memref<128x128xf32, #tpu.memory_space<hbm>>)
      tpu.yield
    }) : () -> ()
    %add3A_47 = arith.constant 384 : i32
    %add3A_48 = arith.addi %mul3A_2, %add3A_47 : i32
    "tpu.region"() ({
      %run_scoped3A = tpu.sem_alloc : memref<!tpu.dma_semaphore, #tpu.memory_space<semaphore_mem>>
      %dma_start3A_51 = arith.constant 0 : i32
      %dma_start3A_52 = arith.constant 0 : i32
      %dma_start3A_53 = tpu.memref_slice %arg4[%arg0, %dma_start3A_51, %dma_start3A_52] : memref<2x10240x128xf32, #tpu.memory_space<hbm>> -> memref<1x10240x128xf32, #tpu.memory_space<hbm>>
      %dma_start3A_54 = tpu.memref_squeeze %dma_start3A_53 : memref<1x10240x128xf32, #tpu.memory_space<hbm>> -> memref<10240x128xf32, #tpu.memory_space<hbm>>
      %dma_start3A_55 = arith.constant 0 : i32
      %dma_start3A_56 = tpu.memref_slice %dma_start3A_54[%add3A_48, %dma_start3A_55] : memref<10240x128xf32, #tpu.memory_space<hbm>> -> memref<128x128xf32, #tpu.memory_space<hbm>>
      %dma_start3A_57 = arith.constant 0 : i32
      %dma_start3A_58 = tpu.memref_slice %arg7[%add3A_48, %dma_start3A_57] : memref<10240x128xf32, #tpu.memory_space<vmem_shared>> -> memref<128x128xf32, #tpu.memory_space<vmem_shared>>
      tpu.enqueue_dma source(%dma_start3A_58 : memref<128x128xf32, #tpu.memory_space<vmem_shared>>) target(%dma_start3A_56 : memref<128x128xf32, #tpu.memory_space<hbm>>) target_semaphore(%run_scoped3A : memref<!tpu.dma_semaphore, #tpu.memory_space<semaphore_mem>>)
      %dma_wait3A_59 = arith.constant 0 : i32
      %dma_wait3A_60 = arith.constant 0 : i32
      %dma_wait3A_61 = tpu.memref_slice %arg4[%arg0, %dma_wait3A_59, %dma_wait3A_60] : memref<2x10240x128xf32, #tpu.memory_space<hbm>> -> memref<1x10240x128xf32, #tpu.memory_space<hbm>>
      %dma_wait3A_62 = tpu.memref_squeeze %dma_wait3A_61 : memref<1x10240x128xf32, #tpu.memory_space<hbm>> -> memref<10240x128xf32, #tpu.memory_space<hbm>>
      %dma_wait3A_63 = arith.constant 0 : i32
      %dma_wait3A_64 = tpu.memref_slice %dma_wait3A_62[%add3A_48, %dma_wait3A_63] : memref<10240x128xf32, #tpu.memory_space<hbm>> -> memref<128x128xf32, #tpu.memory_space<hbm>>
      %dma_wait3A_65 = arith.constant 0 : i32
      %dma_wait3A_66 = tpu.memref_slice %arg7[%add3A_48, %dma_wait3A_65] : memref<10240x128xf32, #tpu.memory_space<vmem_shared>> -> memref<128x128xf32, #tpu.memory_space<vmem_shared>>
      tpu.wait_dma2 semaphore(%run_scoped3A : memref<!tpu.dma_semaphore, #tpu.memory_space<semaphore_mem>>) src(%dma_wait3A_66 : memref<128x128xf32, #tpu.memory_space<vmem_shared>>) dst(%dma_wait3A_64 : memref<128x128xf32, #tpu.memory_space<hbm>>)
      tpu.yield
    }) : () -> ()
    %add3A_49 = arith.constant 512 : i32
    %add3A_50 = arith.addi %mul3A_2, %add3A_49 : i32
    "tpu.region"() ({
      %run_scoped3A = tpu.sem_alloc : memref<!tpu.dma_semaphore, #tpu.memory_space<semaphore_mem>>
      %dma_start3A_51 = arith.constant 0 : i32
      %dma_start3A_52 = arith.constant 0 : i32
      %dma_start3A_53 = tpu.memref_slice %arg4[%arg0, %dma_start3A_51, %dma_start3A_52] : memref<2x10240x128xf32, #tpu.memory_space<hbm>> -> memref<1x10240x128xf32, #tpu.memory_space<hbm>>
      %dma_start3A_54 = tpu.memref_squeeze %dma_start3A_53 : memref<1x10240x128xf32, #tpu.memory_space<hbm>> -> memref<10240x128xf32, #tpu.memory_space<hbm>>
      %dma_start3A_55 = arith.constant 0 : i32
      %dma_start3A_56 = tpu.memref_slice %dma_start3A_54[%add3A_50, %dma_start3A_55] : memref<10240x128xf32, #tpu.memory_space<hbm>> -> memref<128x128xf32, #tpu.memory_space<hbm>>
      %dma_start3A_57 = arith.constant 0 : i32
      %dma_start3A_58 = tpu.memref_slice %arg7[%add3A_50, %dma_start3A_57] : memref<10240x128xf32, #tpu.memory_space<vmem_shared>> -> memref<128x128xf32, #tpu.memory_space<vmem_shared>>
      tpu.enqueue_dma source(%dma_start3A_58 : memref<128x128xf32, #tpu.memory_space<vmem_shared>>) target(%dma_start3A_56 : memref<128x128xf32, #tpu.memory_space<hbm>>) target_semaphore(%run_scoped3A : memref<!tpu.dma_semaphore, #tpu.memory_space<semaphore_mem>>)
      %dma_wait3A_59 = arith.constant 0 : i32
      %dma_wait3A_60 = arith.constant 0 : i32
      %dma_wait3A_61 = tpu.memref_slice %arg4[%arg0, %dma_wait3A_59, %dma_wait3A_60] : memref<2x10240x128xf32, #tpu.memory_space<hbm>> -> memref<1x10240x128xf32, #tpu.memory_space<hbm>>
      %dma_wait3A_62 = tpu.memref_squeeze %dma_wait3A_61 : memref<1x10240x128xf32, #tpu.memory_space<hbm>> -> memref<10240x128xf32, #tpu.memory_space<hbm>>
      %dma_wait3A_63 = arith.constant 0 : i32
      %dma_wait3A_64 = tpu.memref_slice %dma_wait3A_62[%add3A_50, %dma_wait3A_63] : memref<10240x128xf32, #tpu.memory_space<hbm>> -> memref<128x128xf32, #tpu.memory_space<hbm>>
      %dma_wait3A_65 = arith.constant 0 : i32
      %dma_wait3A_66 = tpu.memref_slice %arg7[%add3A_50, %dma_wait3A_65] : memref<10240x128xf32, #tpu.memory_space<vmem_shared>> -> memref<128x128xf32, #tpu.memory_space<vmem_shared>>
      tpu.wait_dma2 semaphore(%run_scoped3A : memref<!tpu.dma_semaphore, #tpu.memory_space<semaphore_mem>>) src(%dma_wait3A_66 : memref<128x128xf32, #tpu.memory_space<vmem_shared>>) dst(%dma_wait3A_64 : memref<128x128xf32, #tpu.memory_space<hbm>>)
      tpu.yield
    }) : () -> ()
    return
  }
}

module attributes {stable_mosaic.version = 14 : i64} {
  func.func @body(%arg0: i32, %arg1: memref<400x128xf32, #tpu.memory_space<vmem>>, %arg2: memref<128x128xf32, #tpu.memory_space<vmem>>, %arg3: memref<1x128xf32, #tpu.memory_space<vmem>>, %arg4: memref<400x128xf32, #tpu.memory_space<vmem>>) attributes {dimension_semantics = [#tpu.dimension_semantics<arbitrary>], iteration_bounds = array<i64: 25>, scalar_prefetch = 0 : i64, scratch_operands = 0 : i64, tpu.core_type = #tpu.core_type<tc>, window_params = [{transform_indices = @transform_0, window_bounds = array<i64: 400, 128>}, {pipeline_mode = #tpu.pipeline_mode<synchronous>, transform_indices = @transform_1, window_bounds = array<i64: 128, 128>}, {pipeline_mode = #tpu.pipeline_mode<synchronous>, transform_indices = @transform_2, window_bounds = array<i64: 1, 128>}, {transform_indices = @transform_3, window_bounds = array<i64: 400, 128>}]} {
    %get3A = arith.constant 0 : index
    %get3A_0 = arith.constant 0 : index
    %get3A_1 = vector.load %arg1[%get3A, %get3A_0] : memref<400x128xf32, #tpu.memory_space<vmem>>, vector<400x128xf32>
    %get3A_2 = arith.constant 0 : index
    %get3A_3 = arith.constant 0 : index
    %get3A_4 = vector.load %arg2[%get3A_2, %get3A_3] : memref<128x128xf32, #tpu.memory_space<vmem>>, vector<128x128xf32>
    %dot_general3A = arith.constant dense<0.000000e+00> : vector<400x128xf32>
    %dot_general3A_5 = tpu.matmul %get3A_1, %get3A_4, %dot_general3A {dimension_numbers = #tpu.dot_dimension_numbers<[1], [0], [0], [1], [0, 0, 1, 1], [], []>, transpose_lhs_hint = false} : vector<400x128xf32>, vector<128x128xf32>, vector<400x128xf32> -> vector<400x128xf32>
    %get3A_6 = arith.constant 0 : index
    %get3A_7 = arith.constant 0 : index
    %get3A_8 = vector.load %arg3[%get3A_6, %get3A_7] : memref<1x128xf32, #tpu.memory_space<vmem>>, vector<1x128xf32>
    %add3A = vector.broadcast %get3A_8 : vector<1x128xf32> to vector<400x128xf32>
    %add3A_9 = arith.addf %dot_general3A_5, %add3A : vector<400x128xf32>
    %max3A = arith.constant 0.000000e+00 : f32
    %max3A_10 = vector.broadcast %max3A : f32 to vector<400x128xf32>
    %max3A_11 = arith.maximumf %add3A_9, %max3A_10 : vector<400x128xf32>
    %swap3A = arith.constant 0 : index
    %swap3A_12 = arith.constant 0 : index
    %swap3A_13 = vector.load %arg4[%swap3A, %swap3A_12] : memref<400x128xf32, #tpu.memory_space<vmem>>, vector<400x128xf32>
    tpu.vector_store %arg4[%swap3A, %swap3A_12], %max3A_11 {strides = array<i32>} : memref<400x128xf32, #tpu.memory_space<vmem>>, vector<400x128xf32>,
    return
  }
  func.func @transform_0(%arg0: i32) -> (i32, i32) {
    %c0_i32 = arith.constant 0 : i32
    %c0_i32_0 = arith.constant 0 : i32
    return %arg0, %c0_i32 : i32, i32
  }
  func.func @transform_1(%arg0: i32) -> (i32, i32) {
    %c0_i32 = arith.constant 0 : i32
    %c0_i32_0 = arith.constant 0 : i32
    %c0_i32_1 = arith.constant 0 : i32
    return %c0_i32, %c0_i32_0 : i32, i32
  }
  func.func @transform_2(%arg0: i32) -> (i32, i32) {
    %c0_i32 = arith.constant 0 : i32
    %c0_i32_0 = arith.constant 0 : i32
    %c0_i32_1 = arith.constant 0 : i32
    return %c0_i32, %c0_i32_0 : i32, i32
  }
  func.func @transform_3(%arg0: i32) -> (i32, i32) {
    %c0_i32 = arith.constant 0 : i32
    %c0_i32_0 = arith.constant 0 : i32
    return %arg0, %c0_i32 : i32, i32
  }
}

module attributes {stable_mosaic.version = 14 : i64} {
  func.func @body(%arg0: i32, %arg1: memref<2x400x128xf32, #tpu.memory_space<vmem>>, %arg2: memref<32x1x1x400xf32, #tpu.memory_space<vmem>>, %arg3: memref<400x128xf32, #tpu.memory_space<vmem>>, %arg4: memref<128x128xf32, #tpu.memory_space<vmem>>, %arg5: memref<128x128xf32, #tpu.memory_space<vmem>>, %arg6: memref<1x128xf32, #tpu.memory_space<vmem>>, %arg7: memref<400x128xf32, #tpu.memory_space<vmem>>) attributes {dimension_semantics = [#tpu.dimension_semantics<arbitrary>], iteration_bounds = array<i64: 25>, scalar_prefetch = 0 : i64, scratch_operands = 0 : i64, tpu.core_type = #tpu.core_type<tc>, window_params = [{transform_indices = @transform_0, window_bounds = array<i64: 2, 400, 128>}, {transform_indices = @transform_1, window_bounds = array<i64: 32, 1, 1, 400>}, {transform_indices = @transform_2, window_bounds = array<i64: 400, 128>}, {pipeline_mode = #tpu.pipeline_mode<synchronous>, transform_indices = @transform_3, window_bounds = array<i64: 128, 128>}, {pipeline_mode = #tpu.pipeline_mode<synchronous>, transform_indices = @transform_4, window_bounds = array<i64: 128, 128>}, {pipeline_mode = #tpu.pipeline_mode<synchronous>, transform_indices = @transform_5, window_bounds = array<i64: 1, 128>}, {transform_indices = @transform_6, window_bounds = array<i64: 400, 128>}]} {
    %get3A = arith.constant 0 : index
    %get3A_0 = arith.constant 0 : index
    %get3A_1 = arith.constant 0 : index
    %get3A_2 = arith.constant 0 : index
    %get3A_3 = vector.load %arg2[%get3A, %get3A_0, %get3A_1, %get3A_2] : memref<32x1x1x400xf32, #tpu.memory_space<vmem>>, vector<32x1x1x400xf32>
    %get3A_4 = vector.shape_cast %get3A_3 : vector<32x1x1x400xf32> to vector<32x400xf32>
    %reduce_sum3A = arith.constant dense<0.000000e+00> : vector<400xf32>
    %reduce_sum3A_5 = vector.multi_reduction <add>, %get3A_4, %reduce_sum3A [0] : vector<32x400xf32> to vector<400xf32>
    %reshape3A = vector.shape_cast %reduce_sum3A_5 : vector<400xf32> to vector<400x1xf32>
    %get3A_6 = arith.constant 0 : index
    %get3A_7 = arith.constant 0 : index
    %get3A_8 = arith.constant 0 : index
    %get3A_9 = vector.load %arg1[%get3A_6, %get3A_7, %get3A_8] : memref<2x400x128xf32, #tpu.memory_space<vmem>>, vector<1x400x128xf32>
    %get3A_10 = vector.shape_cast %get3A_9 : vector<1x400x128xf32> to vector<400x128xf32>
    %get3A_11 = arith.constant 1 : index
    %get3A_12 = arith.constant 0 : index
    %get3A_13 = arith.constant 0 : index
    %get3A_14 = vector.load %arg1[%get3A_11, %get3A_12, %get3A_13] : memref<2x400x128xf32, #tpu.memory_space<vmem>>, vector<1x400x128xf32>
    %get3A_15 = vector.shape_cast %get3A_14 : vector<1x400x128xf32> to vector<400x128xf32>
    %add3A = arith.addf %get3A_10, %get3A_15 : vector<400x128xf32>
    %max3A = arith.constant 1.000000e+00 : f32
    %max3A_16 = vector.broadcast %max3A : f32 to vector<400x1xf32>
    %max3A_17 = arith.maximumf %reshape3A, %max3A_16 : vector<400x1xf32>
    %div3A = vector.broadcast %max3A_17 : vector<400x1xf32> to vector<400x128xf32>
    %div3A_18 = arith.divf %add3A, %div3A : vector<400x128xf32>
    %get3A_19 = arith.constant 0 : index
    %get3A_20 = arith.constant 0 : index
    %get3A_21 = vector.load %arg4[%get3A_19, %get3A_20] : memref<128x128xf32, #tpu.memory_space<vmem>>, vector<128x128xf32>
    %dot_general3A = arith.constant dense<0.000000e+00> : vector<400x128xf32>
    %dot_general3A_22 = tpu.matmul %div3A_18, %get3A_21, %dot_general3A {dimension_numbers = #tpu.dot_dimension_numbers<[1], [0], [0], [1], [0, 0, 1, 1], [], []>, transpose_lhs_hint = false} : vector<400x128xf32>, vector<128x128xf32>, vector<400x128xf32> -> vector<400x128xf32>
    %get3A_23 = arith.constant 0 : index
    %get3A_24 = arith.constant 0 : index
    %get3A_25 = vector.load %arg3[%get3A_23, %get3A_24] : memref<400x128xf32, #tpu.memory_space<vmem>>, vector<400x128xf32>
    %get3A_26 = arith.constant 0 : index
    %get3A_27 = arith.constant 0 : index
    %get3A_28 = vector.load %arg5[%get3A_26, %get3A_27] : memref<128x128xf32, #tpu.memory_space<vmem>>, vector<128x128xf32>
    %dot_general3A_29 = arith.constant dense<0.000000e+00> : vector<400x128xf32>
    %dot_general3A_30 = tpu.matmul %get3A_25, %get3A_28, %dot_general3A_29 {dimension_numbers = #tpu.dot_dimension_numbers<[1], [0], [0], [1], [0, 0, 1, 1], [], []>, transpose_lhs_hint = false} : vector<400x128xf32>, vector<128x128xf32>, vector<400x128xf32> -> vector<400x128xf32>
    %add3A_31 = arith.addf %dot_general3A_22, %dot_general3A_30 : vector<400x128xf32>
    %get3A_32 = arith.constant 0 : index
    %get3A_33 = arith.constant 0 : index
    %get3A_34 = vector.load %arg6[%get3A_32, %get3A_33] : memref<1x128xf32, #tpu.memory_space<vmem>>, vector<1x128xf32>
    %add3A_35 = vector.broadcast %get3A_34 : vector<1x128xf32> to vector<400x128xf32>
    %add3A_36 = arith.addf %add3A_31, %add3A_35 : vector<400x128xf32>
    %max3A_37 = arith.constant 0.000000e+00 : f32
    %max3A_38 = vector.broadcast %max3A_37 : f32 to vector<400x128xf32>
    %max3A_39 = arith.maximumf %add3A_36, %max3A_38 : vector<400x128xf32>
    %swap3A = arith.constant 0 : index
    %swap3A_40 = arith.constant 0 : index
    %swap3A_41 = vector.load %arg7[%swap3A, %swap3A_40] : memref<400x128xf32, #tpu.memory_space<vmem>>, vector<400x128xf32>
    tpu.vector_store %arg7[%swap3A, %swap3A_40], %max3A_39 {strides = array<i32>} : memref<400x128xf32, #tpu.memory_space<vmem>>, vector<400x128xf32>,
    return
  }
  func.func @transform_0(%arg0: i32) -> (i32, i32, i32) {
    %c0_i32 = arith.constant 0 : i32
    %c0_i32_0 = arith.constant 0 : i32
    %c0_i32_1 = arith.constant 0 : i32
    return %c0_i32, %arg0, %c0_i32_0 : i32, i32, i32
  }
  func.func @transform_1(%arg0: i32) -> (i32, i32, i32, i32) {
    %c0_i32 = arith.constant 0 : i32
    %c0_i32_0 = arith.constant 0 : i32
    %c0_i32_1 = arith.constant 0 : i32
    %c0_i32_2 = arith.constant 0 : i32
    return %c0_i32, %arg0, %c0_i32_0, %c0_i32_1 : i32, i32, i32, i32
  }
  func.func @transform_2(%arg0: i32) -> (i32, i32) {
    %c0_i32 = arith.constant 0 : i32
    %c0_i32_0 = arith.constant 0 : i32
    return %arg0, %c0_i32 : i32, i32
  }
  func.func @transform_3(%arg0: i32) -> (i32, i32) {
    %c0_i32 = arith.constant 0 : i32
    %c0_i32_0 = arith.constant 0 : i32
    %c0_i32_1 = arith.constant 0 : i32
    return %c0_i32, %c0_i32_0 : i32, i32
  }
  func.func @transform_4(%arg0: i32) -> (i32, i32) {
    %c0_i32 = arith.constant 0 : i32
    %c0_i32_0 = arith.constant 0 : i32
    %c0_i32_1 = arith.constant 0 : i32
    return %c0_i32, %c0_i32_0 : i32, i32
  }
  func.func @transform_5(%arg0: i32) -> (i32, i32) {
    %c0_i32 = arith.constant 0 : i32
    %c0_i32_0 = arith.constant 0 : i32
    %c0_i32_1 = arith.constant 0 : i32
    return %c0_i32, %c0_i32_0 : i32, i32
  }
  func.func @transform_6(%arg0: i32) -> (i32, i32) {
    %c0_i32 = arith.constant 0 : i32
    %c0_i32_0 = arith.constant 0 : i32
    return %arg0, %c0_i32 : i32, i32
  }
}

module attributes {stable_mosaic.version = 14 : i64} {
  func.func @body(%arg0: i32, %arg1: memref<400x128xf32, #tpu.memory_space<vmem>>, %arg2: memref<1x1x400xi32, #tpu.memory_space<vmem>>, %arg3: memref<128x128xf32, #tpu.memory_space<vmem>>, %arg4: memref<1x128xf32, #tpu.memory_space<vmem>>, %arg5: memref<16x128xf32, #tpu.memory_space<vmem>>, %arg6: memref<16x128xf32, #tpu.memory_space<vmem>>, %arg7: memref<16x1xf32, #tpu.memory_space<vmem>>) attributes {dimension_semantics = [#tpu.dimension_semantics<arbitrary>], iteration_bounds = array<i64: 25>, scalar_prefetch = 0 : i64, scratch_operands = 2 : i64, tpu.core_type = #tpu.core_type<tc>, window_params = [{transform_indices = @transform_0, window_bounds = array<i64: 400, 128>}, {transform_indices = @transform_1, window_bounds = array<i64: 1, 1, 400>}, {pipeline_mode = #tpu.pipeline_mode<synchronous>, transform_indices = @transform_2, window_bounds = array<i64: 128, 128>}, {pipeline_mode = #tpu.pipeline_mode<synchronous>, transform_indices = @transform_3, window_bounds = array<i64: 1, 128>}, {pipeline_mode = #tpu.pipeline_mode<synchronous>, transform_indices = @transform_4, window_bounds = array<i64: 16, 128>}]} {
    %eq3A = arith.constant 0 : i32
    %eq3A_0 = arith.cmpi eq, %arg0, %eq3A : i32
    %convert_element_type3A = arith.extui %eq3A_0 : i1 to i32
    %cond3A = arith.constant 0 : i32
    %cond3A_1 = arith.cmpi ne, %convert_element_type3A, %cond3A : i32
    scf.if %cond3A_1 {
      %broadcast_in_dim3A_33 = arith.constant 0.000000e+00 : f32
      %broadcast_in_dim3A_34 = vector.broadcast %broadcast_in_dim3A_33 : f32 to vector<16x128xf32>
      %swap3A_35 = arith.constant 0 : index
      %swap3A_36 = arith.constant 0 : index
      %swap3A_37 = vector.load %arg6[%swap3A_35, %swap3A_36] : memref<16x128xf32, #tpu.memory_space<vmem>>, vector<16x128xf32>
      tpu.vector_store %arg6[%swap3A_35, %swap3A_36], %broadcast_in_dim3A_34 {strides = array<i32>} : memref<16x128xf32, #tpu.memory_space<vmem>>, vector<16x128xf32>,
      %broadcast_in_dim3A_38 = arith.constant 0.000000e+00 : f32
      %broadcast_in_dim3A_39 = vector.broadcast %broadcast_in_dim3A_38 : f32 to vector<16x1xf32>
      %swap3A_40 = arith.constant 0 : index
      %swap3A_41 = arith.constant 0 : index
      %swap3A_42 = vector.load %arg7[%swap3A_40, %swap3A_41] : memref<16x1xf32, #tpu.memory_space<vmem>>, vector<16x1xf32>
      tpu.vector_store %arg7[%swap3A_40, %swap3A_41], %broadcast_in_dim3A_39 {strides = array<i32>} : memref<16x1xf32, #tpu.memory_space<vmem>>, vector<16x1xf32>,
    } else {
    }
    %get3A = arith.constant 0 : index
    %get3A_2 = arith.constant 0 : index
    %get3A_3 = arith.constant 0 : index
    %get3A_4 = vector.load %arg2[%get3A, %get3A_2, %get3A_3] : memref<1x1x400xi32, #tpu.memory_space<vmem>>, vector<1x1x400xi32>
    %get3A_5 = vector.shape_cast %get3A_4 : vector<1x1x400xi32> to vector<400xi32>
    %iota3A = tpu.iota {dimensions = array<i32: 0>} : vector<16x400xi32>
    %broadcast_in_dim3A = vector.shape_cast %get3A_5 : vector<400xi32> to vector<1x400xi32>
    %eq3A_6 = vector.broadcast %broadcast_in_dim3A : vector<1x400xi32> to vector<16x400xi32>
    %eq3A_7 = arith.cmpi eq, %iota3A, %eq3A_6 : vector<16x400xi32>
    %convert_element_type3A_8 = arith.extui %eq3A_7 : vector<16x400xi1> to vector<16x400xi32>
    %convert_element_type3A_9 = arith.sitofp %convert_element_type3A_8 : vector<16x400xi32> to vector<16x400xf32>
    %get3A_10 = arith.constant 0 : index
    %get3A_11 = arith.constant 0 : index
    %get3A_12 = vector.load %arg6[%get3A_10, %get3A_11] : memref<16x128xf32, #tpu.memory_space<vmem>>, vector<16x128xf32>
    %get3A_13 = arith.constant 0 : index
    %get3A_14 = arith.constant 0 : index
    %get3A_15 = vector.load %arg1[%get3A_13, %get3A_14] : memref<400x128xf32, #tpu.memory_space<vmem>>, vector<400x128xf32>
    %dot_general3A = arith.constant dense<0.000000e+00> : vector<16x128xf32>
    %dot_general3A_16 = tpu.matmul %convert_element_type3A_9, %get3A_15, %dot_general3A {dimension_numbers = #tpu.dot_dimension_numbers<[1], [0], [0], [1], [0, 0, 1, 1], [], []>, transpose_lhs_hint = false} : vector<16x400xf32>, vector<400x128xf32>, vector<16x128xf32> -> vector<16x128xf32>
    %add3A = arith.addf %get3A_12, %dot_general3A_16 : vector<16x128xf32>
    %swap3A = arith.constant 0 : index
    %swap3A_17 = arith.constant 0 : index
    %swap3A_18 = vector.load %arg6[%swap3A, %swap3A_17] : memref<16x128xf32, #tpu.memory_space<vmem>>, vector<16x128xf32>
    tpu.vector_store %arg6[%swap3A, %swap3A_17], %add3A {strides = array<i32>} : memref<16x128xf32, #tpu.memory_space<vmem>>, vector<16x128xf32>,
    %get3A_19 = arith.constant 0 : index
    %get3A_20 = arith.constant 0 : index
    %get3A_21 = vector.load %arg7[%get3A_19, %get3A_20] : memref<16x1xf32, #tpu.memory_space<vmem>>, vector<16x1xf32>
    %reduce_sum3A = arith.constant dense<0.000000e+00> : vector<16xf32>
    %reduce_sum3A_22 = vector.multi_reduction <add>, %convert_element_type3A_9, %reduce_sum3A [1] : vector<16x400xf32> to vector<16xf32>
    %broadcast_in_dim3A_23 = vector.shape_cast %reduce_sum3A_22 : vector<16xf32> to vector<16x1xf32>
    %add3A_24 = arith.addf %get3A_21, %broadcast_in_dim3A_23 : vector<16x1xf32>
    %swap3A_25 = arith.constant 0 : index
    %swap3A_26 = arith.constant 0 : index
    %swap3A_27 = vector.load %arg7[%swap3A_25, %swap3A_26] : memref<16x1xf32, #tpu.memory_space<vmem>>, vector<16x1xf32>
    tpu.vector_store %arg7[%swap3A_25, %swap3A_26], %add3A_24 {strides = array<i32>} : memref<16x1xf32, #tpu.memory_space<vmem>>, vector<16x1xf32>,
    %eq3A_28 = arith.constant 24 : i32
    %eq3A_29 = arith.cmpi eq, %arg0, %eq3A_28 : i32
    %convert_element_type3A_30 = arith.extui %eq3A_29 : i1 to i32
    %cond3A_31 = arith.constant 0 : i32
    %cond3A_32 = arith.cmpi ne, %convert_element_type3A_30, %cond3A_31 : i32
    scf.if %cond3A_32 {
      %get3A_33 = arith.constant 0 : index
      %get3A_34 = arith.constant 0 : index
      %get3A_35 = vector.load %arg6[%get3A_33, %get3A_34] : memref<16x128xf32, #tpu.memory_space<vmem>>, vector<16x128xf32>
      %get3A_36 = arith.constant 0 : index
      %get3A_37 = arith.constant 0 : index
      %get3A_38 = vector.load %arg7[%get3A_36, %get3A_37] : memref<16x1xf32, #tpu.memory_space<vmem>>, vector<16x1xf32>
      %max3A = arith.constant 1.000000e+00 : f32
      %max3A_39 = vector.broadcast %max3A : f32 to vector<16x1xf32>
      %max3A_40 = arith.maximumf %get3A_38, %max3A_39 : vector<16x1xf32>
      %div3A = vector.broadcast %max3A_40 : vector<16x1xf32> to vector<16x128xf32>
      %div3A_41 = arith.divf %get3A_35, %div3A : vector<16x128xf32>
      %get3A_42 = arith.constant 0 : index
      %get3A_43 = arith.constant 0 : index
      %get3A_44 = vector.load %arg3[%get3A_42, %get3A_43] : memref<128x128xf32, #tpu.memory_space<vmem>>, vector<128x128xf32>
      %dot_general3A_45 = arith.constant dense<0.000000e+00> : vector<16x128xf32>
      %dot_general3A_46 = tpu.matmul %div3A_41, %get3A_44, %dot_general3A_45 {dimension_numbers = #tpu.dot_dimension_numbers<[1], [0], [0], [1], [0, 0, 1, 1], [], []>, transpose_lhs_hint = false} : vector<16x128xf32>, vector<128x128xf32>, vector<16x128xf32> -> vector<16x128xf32>
      %get3A_47 = arith.constant 0 : index
      %get3A_48 = arith.constant 0 : index
      %get3A_49 = vector.load %arg4[%get3A_47, %get3A_48] : memref<1x128xf32, #tpu.memory_space<vmem>>, vector<1x128xf32>
      %add3A_50 = vector.broadcast %get3A_49 : vector<1x128xf32> to vector<16x128xf32>
      %add3A_51 = arith.addf %dot_general3A_46, %add3A_50 : vector<16x128xf32>
      %swap3A_52 = arith.constant 0 : index
      %swap3A_53 = arith.constant 0 : index
      %swap3A_54 = vector.load %arg5[%swap3A_52, %swap3A_53] : memref<16x128xf32, #tpu.memory_space<vmem>>, vector<16x128xf32>
      tpu.vector_store %arg5[%swap3A_52, %swap3A_53], %add3A_51 {strides = array<i32>} : memref<16x128xf32, #tpu.memory_space<vmem>>, vector<16x128xf32>,
    } else {
    }
    return
  }
  func.func @transform_0(%arg0: i32) -> (i32, i32) {
    %c0_i32 = arith.constant 0 : i32
    %c0_i32_0 = arith.constant 0 : i32
    return %arg0, %c0_i32 : i32, i32
  }
  func.func @transform_1(%arg0: i32) -> (i32, i32, i32) {
    %c0_i32 = arith.constant 0 : i32
    %c0_i32_0 = arith.constant 0 : i32
    %c0_i32_1 = arith.constant 0 : i32
    return %arg0, %c0_i32, %c0_i32_0 : i32, i32, i32
  }
  func.func @transform_2(%arg0: i32) -> (i32, i32) {
    %c0_i32 = arith.constant 0 : i32
    %c0_i32_0 = arith.constant 0 : i32
    %c0_i32_1 = arith.constant 0 : i32
    return %c0_i32, %c0_i32_0 : i32, i32
  }
  func.func @transform_3(%arg0: i32) -> (i32, i32) {
    %c0_i32 = arith.constant 0 : i32
    %c0_i32_0 = arith.constant 0 : i32
    %c0_i32_1 = arith.constant 0 : i32
    return %c0_i32, %c0_i32_0 : i32, i32
  }
  func.func @transform_4(%arg0: i32) -> (i32, i32) {
    %c0_i32 = arith.constant 0 : i32
    %c0_i32_0 = arith.constant 0 : i32
    %c0_i32_1 = arith.constant 0 : i32
    return %c0_i32, %c0_i32_0 : i32, i32
  }
}

</mosaic_0001>

<sc_bundles>
// kernel: kernel.11.cloned.1.call-start
scs
__scs_entry_jumppad:
0x0: {  	(pc) =	sbr.rel $0x88, $3  }
0x1: {  	(tag) =	ssettag $0x0;
	lr =	simm.s32 $0x1  }
0x2: {  	[smem:$0x3F94] =	sst lr;
	_ =	strace $0xD0000000  }
0x3: {  	_ = 	snop  }
0x4: {  	_ = 	snop  }
0x5: {  	_ = 	snop  }
0x6: {  	_ = 	snop  }
0x7: {  	_ = 	snop  }
__scs_overlays_trampoline_lowered:
0x8: {  	[smem:$0x3FA3] =	sst s0  }
0x9: {  	[smem:$0x3FA4] =	sst s1  }
0xa: {  	[smem:$0x3FA5] =	sst s2  }
0xb: {  	[smem:$0x3FA6] =	sst s3  }
0xc: {  	[smem:$0x3FA7] =	sst s4  }
0xd: {  	[smem:$0x3FA8] =	sst s5  }
0xe: {  	[smem:$0x3FA9] =	sst s6  }
0xf: {  	[smem:$0x3FAA] =	sst s7  }
0x10: {  	[smem:$0x3FAB] =	sst s8  }
0x11: {  	[smem:$0x3FAC] =	sst s9;
	s0 =	simm.s32 @!p0 $0x0  }
0x12: {  	s1 =	sld [smem:$0x3F92];
	s0 =	simm.s32 @p0 $0x1  }
0x13: {  	[smem:$0x3FAD] =	sst s0;
	s0 =	simm.s32 @!p1 $0x0  }
0x14: {  	s2 =	sld [smem:$0x3F91];
	s0 =	simm.s32 @p1 $0x1  }
0x15: {  	[smem:$0x3FAE] =	sst s0;
	s0 =	simm.s32 @!p2 $0x0  }
0x16: {  	s3 =	sld [smem:$0x3FDB];
	s0 =	simm.s32 @p2 $0x1  }
0x17: {  	s4 =	simm.s32 $0x1BF5;
	[smem:$0x3FB0] =	sst s0  }
0x18: {  	s0 =	sld [smem:$0x3F93];
	_ =	swait.ge [sflag:s4], $0x0  }
0x19: {  	s7 =	sld [smem:$0x3F94]  }
0x1a: {  	s8 =	sadd.s32 $0xFFFFE003, lr  }
0x1b: {  	s9 =	sadd.s32 $0xFFFFFEF7, lr;
	s5 =	simm.s32 $0xFFFFFFFF;
	p2 =	slt.u32 s8, $0xFFFFF086  }
0x1c: {  	p1 =	slt.u32 s9, $0xF7A;
	s5 =	simm.s32 @!p2 $0x0  }
0x1d: {  	s5 =	simm.s32 @p1 $0x1;
	p0 =	seq.s32 s7, s2  }
0x1e: {  	s7 =	smul.u32 @!p0 $0xF7A, s2;
	p2 =	seq.s32 @!p0 s5, $0x0  }
0x1f: {  	s9 =	smul.u32 $0xF7A, s1;
	s8 =	simm.s32 @!p0 $0x1BF5;
	p2 =	por !p2, p0  }
0x20: {  	[sflag:s8] =	ssyncset.s32 @!p0 $0xFFFFF086;
	s6 =	sadd.s32 @!p0 s3, s7;
	s7 =	simm.s32 @!p0 $0x108  }
0x21: {  	s3 =	sadd.s32 s3, s9;
	s6 =	sadd.s32 @!p0 $0x88, s6;
	s7 =	simm.s32 @p2 $0x1082  }
0x22: {  	[simem:s7], [sflag:s8] =	dma.local @!p0 [hbm:s6], $0xF7A  }
0x23: {  	s9 =	sor.u32 $0xD0000000, s2;
	s6 =	simm.s32 $0x108;
	_ =	swait.ge @!p0 [sflag:s8], $0x0  }
0x24: {  	s3 =	sadd.s32 $0x88, s3;
	s6 =	simm.s32 @!p1 $0x1082;
	[sflag:s4] =	ssyncset.s32 $0xFFFFF086  }
0x25: {  	[simem:s6], [sflag:s4] =	dma.local [hbm:s3], $0xF7A  }
0x26: {  	[smem:$0x3F94] =	sst s1;
	(tag) =	ssettag s2;
	_ =	strace s9  }
0x27: {  	s1 =	sld [smem:$0x3FA4]  }
0x28: {  	s2 =	sld [smem:$0x3FA5]  }
0x29: {  	s4 =	sld [smem:$0x3FA7]  }
0x2a: {  	p0 =	seq.s32 s5, $0x0;
	s5 =	sld [smem:$0x3FA8]  }
0x2b: {  	s6 =	sld [smem:$0x3FA9]  }
0x2c: {  	s7 =	sld [smem:$0x3FAA]  }
0x2d: {  	s3 =	simm.s32 $0x108;
	s8 =	sld [smem:$0x3FAB]  }
0x2e: {  	s3 =	simm.s32 @!p0 $0x1082;
	s9 =	sld [smem:$0x3FAC]  }
0x2f: {  	lr =	sadd.s32 s0, s3;
	s0 =	sld [smem:$0x3FA3]  }
0x30: {  	s3 =	sld [smem:$0x3FA6]  }
0x31: {  	[smem:$0x3FAF] =	sst s10  }
0x32: {  	s10 =	sld [smem:$0x3FAD];
	_ =	sdelay $0x3  }
0x33: {  	p0 =	seq.s32 s10, $0x1;
	s10 =	sld [smem:$0x3FAF];
	_ =	sdelay $0x3  }
0x34: {  	[smem:$0x3FAF] =	sst s10  }
0x35: {  	s10 =	sld [smem:$0x3FAE];
	_ =	sdelay $0x3  }
0x36: {  	p1 =	seq.s32 s10, $0x1;
	s10 =	sld [smem:$0x3FAF];
	_ =	sdelay $0x3  }
0x37: {  	[smem:$0x3FAF] =	sst s10  }
0x38: {  	s10 =	sld [smem:$0x3FB0]  }
0x39: {  	_ = 	snop;
	(pc) =	sbr.ind lr, $3  }
0x3a: {  	_ = 	snop  }
0x3b: {  	_ = 	snop  }
0x3c: {  	p2 =	seq.s32 s10, $0x1;
	s10 =	sld [smem:$0x3FAF]  }
0x3d: {  	_ =	shalt  }
0x3e: {  	_ =	shalt  }
0x3f: {  	_ =	shalt  }
0x40: {  	_ =	shalt  }
0x41: {  	_ =	shalt  }
0x42: {  	_ =	shalt  }
0x43: {  	_ =	shalt  }
0x44: {  	_ =	shalt  }
0x45: {  	_ =	shalt  }
0x46: {  	_ =	shalt  }
0x47: {  	_ =	shalt  }
0x48: {  	_ =	shalt  }
0x49: {  	_ =	shalt  }
0x4a: {  	_ =	shalt  }
0x4b: {  	_ =	shalt  }
0x4c: {  	_ =	shalt  }
0x4d: {  	_ =	shalt  }
0x4e: {  	_ =	shalt  }
0x4f: {  	_ =	shalt  }
0x50: {  	_ =	shalt  }
0x51: {  	_ =	shalt  }
0x52: {  	_ =	shalt  }
0x53: {  	_ =	shalt  }
0x54: {  	_ =	shalt  }
0x55: {  	_ =	shalt  }
0x56: {  	_ =	shalt  }
0x57: {  	_ =	shalt  }
0x58: {  	_ =	shalt  }
0x59: {  	_ =	shalt  }
0x5a: {  	_ =	shalt  }
0x5b: {  	_ =	shalt  }
0x5c: {  	_ =	shalt  }
0x5d: {  	_ =	shalt  }
0x5e: {  	_ =	shalt  }
0x5f: {  	_ =	shalt  }
0x60: {  	_ =	shalt  }
0x61: {  	_ =	shalt  }
0x62: {  	_ =	shalt  }
0x63: {  	_ =	shalt  }
0x64: {  	_ =	shalt  }
0x65: {  	_ =	shalt  }
0x66: {  	_ =	shalt  }
0x67: {  	_ =	shalt  }
0x68: {  	_ =	shalt  }
0x69: {  	_ =	shalt  }
0x6a: {  	_ =	shalt  }
0x6b: {  	_ =	shalt  }
0x6c: {  	_ =	shalt  }
0x6d: {  	_ =	shalt  }
0x6e: {  	_ =	shalt  }
0x6f: {  	_ =	shalt  }
0x70: {  	_ =	shalt  }
0x71: {  	_ =	shalt  }
0x72: {  	_ =	shalt  }
0x73: {  	_ =	shalt  }
0x74: {  	_ =	shalt  }
0x75: {  	_ =	shalt  }
0x76: {  	_ =	shalt  }
0x77: {  	_ =	shalt  }
0x78: {  	_ =	shalt  }
0x79: {  	_ =	shalt  }
0x7a: {  	_ =	shalt  }
0x7b: {  	_ =	shalt  }
0x7c: {  	_ =	shalt  }
0x7d: {  	_ =	shalt  }
0x7e: {  	_ =	shalt  }
0x7f: {  	_ =	shalt  }
0x80: {  	_ =	shalt  }
0x81: {  	_ =	shalt  }
0x82: {  	_ =	shalt  }
0x83: {  	_ =	shalt  }
0x84: {  	_ =	shalt  }
0x85: {  	_ =	shalt  }
0x86: {  	_ =	shalt  }
0x87: {  	_ =	shalt  }
.Lfunc_end0:
.L_simem_size_0:
called_computation.1_lowered:
.L_overlay_start_0:
0x88: {  	s2 =	sld [smem:$0x3FD9]  }
0x89: {  	s3 =	sld [smem:$0x3FFE];
	_ =	sdelay $0x1  }
0x8a: {  	s1 =	srdreg.scid  }
0x8b: {  	s0 =	sand.u32 $0x1, s1  }
0x8c: {  	s16 =	sshll.u32 s0, $0xA;
	s2 =	sadd.s32 s3, s2  }
0x8d: {  	s2 =	sadd.s32 s2, s16  }
0x8e: {  	[smem:$0x3FBB] =	sst s2  }
0x8f: {  	_ = 	snop  }
0x90: {  	(tm) =	ssettm $0x1  }
0x91: {  	s17 =	sld [smem:$0x3FFB];
	_ =	sdelay $0x3  }
0x92: {  	_ =	strace s17  }
0x93: {  	s2 =	sld [smem:$0x3FFC];
	_ =	sdelay $0x3  }
0x94: {  	_ =	strace s2  }
0x95: {  	s2 =	sld [smem:$0x3FFD];
	_ =	sdelay $0x3  }
0x96: {  	_ =	strace s2  }
0x97: {  	_ =	strace $0x8FFFFFFF  }
0x98: {  	s18 =	sld [smem:$0x3FDB];
	_ =	sdelay $0x1  }
0x99: {  	s19 =	simm.s32 $_scs_section_size  }
0x9a: {  	s4 =	simm.s32 $_size__tile_overlayer_lowered;
	s5 =	simm.s32 $_tile_overlayer_lowered  }
0x9b: {  	s22 =	simm.s32 $0x1BFF;
	s21 =	sshll.u32 s5, $0x1;
	s2 =	sadd.s32 s19, s18  }
0x9c: {  	s6 =	simm.s32 $0x0;
	s20 =	sshll.u32 s4, $0x1;
	s4 =	sadd.s32 s21, s2  }
0x9d: {  	[timem:s6], [sflag:s22] =	dma.local [hbm:s4], s20  }
0x9e: {  	_ =	swait.ge [sflag:s22], s20  }
0x9f: {  	s3 =	ssub.s32 $0x0, s20;
	[sflag:s22] =	ssyncset.done $0x0  }
0xa0: {  	[sflag:s22] =	ssyncadd.s32 s3;
	_ =	sdelay $0x1  }
0xa1: {  	s23 =	simm.s32 $0x1B8B  }
0xa2: {  	_ =	swait.ge [sflag:s23], $0x1  }
0xa3: {  	[sflag:s23] =	ssyncset.done $0x0  }
0xa4: {  	s25 =	simm.s32 $0x1B8E;
	s24 =	sld [smem:$0x3FFE];
	[sflag:s23] =	ssyncadd.s32 $0xFFFFFFFF  }
0xa5: {  	s26 =	simm.s32 $execute0_lowered;
	[smem:$0x3FD2] =	sst s25  }
0xa6: {  	s4 =	sshll.u32 s26, $0x1;
	_ =	strace $0x80000049;
	[dreg:$0x1] =	wrdreg $0xFFFFFFFF  }
0xa7: {  	s28 =	simm.s32 $_size_execute0_lowered;
	s2 =	sadd.s32 s2, s4;
	[dreg:$0x0] =	wrdreg $0x0  }
0xa8: {  	s4 =	sshll.u32 s28, $0x1;
	[dreg:$0x2] =	wrdreg s2  }
0xa9: {  	[dreg:$0x3] =	wrdreg s4  }
0xaa: {  	[dreg:$0x4] =	wrdreg $0xC0  }
0xab: {  	_ =	task [dreg:s6], $0x5FFFF  }
0xac: {  	[dreg:$0x1] =	wrdreg $0xFFFFFFFF  }
0xad: {  	[dreg:$0x0] =	wrdreg $0x60  }
0xae: {  	[dreg:$0x2] =	wrdreg s24  }
0xaf: {  	[dreg:$0x3] =	wrdreg $0x8F000  }
0xb0: {  	[dreg:$0x4] =	wrdreg $0x9  }
0xb1: {  	_ =	task.clear_ibuf [dreg:s6], $0x5FFFF;
	_ =	strace $0x90000049  }
0xb2: {  	s29 =	simm.s32 $0x9;
	_ =	strace $0x8000004B  }
0xb3: {  	_ =	swait.ge [sflag:s29], $0x1  }
0xb4: {  	[sflag:s29] =	ssyncadd.s32 $0xFFFFFFFF  }
0xb5: {  	_ =	strace $0x9000004B  }
0xb6: {  	_ =	sfence  }
0xb7: {  	s30 =	sld [smem:$0x0];
	_ =	sdelay $0x2  }
0xb8: {  	s31 =	sshll.u32 s1, $0xD;
	s1 =	sshrl.u32 s1, $0x2  }
0xb9: {  	s3 =	sand.u32 $0x4000, s31;
	s1 =	sadd.s32 s1, s30  }
0xba: {  	s0 =	sor.u32 s3, s0;
	s1 =	sshll.u32 s1, $0x11  }
0xbb: {  	s0 =	sor.u32 s1, s0  }
0xbc: {  	s0 =	sadd.s32 $0x8F2B, s0  }
0xbd: {  	[sflag:s0] =	ssyncadd.remote.s32 $0x1  }
0xbe: {  	_ =	sfence.sel $0xFFFF  }
0xbf: {  	[dreg:$0x0] =	wrdreg $0xFFFFFFFF;
	(pc) =	sbr.abs _section_cstart, $3  }
0xc0: {  	[dreg:$0x1] =	wrdreg $0xFFFFFFFF  }
0xc1: {  	_ =	task.clear_ibuf [dreg:s6], $0x2FFFF;
	_ =	strace $0x9FFFFFFF  }
0xc2: {  	(tm) =	ssettm $0x7FFFFFFF  }
0xc3: {  	_ =	shalt  }
tec
execute0_lowered:
.L_overlay_start_1:
0x0: {  	(tag) =	ssettag $0x1  }
0x1: {  	s0 =	srdreg.scid  }
0x2: {  	s6 =	rddreg [dreg:$0x0];
	s5 =	sand.u32 $0x1, s0  }
0x3: {  	s0 =	stileid.u32;
	s8 =	smul.u32 $0x28000, s5  }
0x4: {  	s2 =	rddreg [dreg:$0x1];
	s3 =	simm.s32 $0x0;
	s9 =	smul.u32 $0x280, s0  }
0x5: {  	[smem:$0x7FF] =	sst s3;
	s1 =	sshll.u32 s5, $0x4;
	s10 =	smul.u32 $0x50000, s0  }
0x6: {  	s5 =	ssub.s32 $0x2, s5;
	s17 =	smul.u32 $0x2800, s0;
	s4 =	sor.u32 s0, s1  }
0x7: {  	s1 =	rddreg [dreg:$0x2];
	_ =	strace $0x8000004A;
	s25 =	sshrl.u32 s5, $0x1  }
0x8: {  	s7 =	smul.u32 $0x9E0, s4;
	s4 =	sadd.s32 $0x16A00, s6;
	s11 =	sadd.s32 s8, s6  }
0x9: {  	s12 =	ssub.s32 s5, s25;
	s26 =	sshrl.u32 s10, $0x2;
	s13 =	sadd.s32 $0x80, s9  }
0xa: {  	s14 =	sadd.s32 $0x100, s9;
	s15 =	sadd.s32 $0x180, s9;
	s16 =	sadd.s32 $0x200, s9  }
0xb: {  	s28 =	sshll.u32 s13, $0x7;
	s29 =	sshll.u32 s14, $0x7;
	s30 =	sshll.u32 s15, $0x7  }
0xc: {  	s31 =	sshll.u32 s16, $0x7;
	s20 =	sadd.s32 $0x3DC00, s11;
	s18 =	sshll.u32 s13, $0x4  }
0xd: {  	s19 =	sshll.u32 s14, $0x4;
	s21 =	sshll.u32 s15, $0x4;
	s22 =	sshll.u32 s16, $0x4  }
0xe: {  	s11 =	smax.u32 s12, $0x1;
	s12 =	simm.s32 $0x4F00;
	s13 =	simm.s32 $0x2  }
0xf: {  	s14 =	simm.s32 $0x1;
	s15 =	simm.s32 $0x80;
	s7 =	sadd.s32 s7, s6  }
0x10: {  	s6 =	sadd.s32 s26, s2;
	s8 =	sadd.s32 s29, s2;
	s9 =	sadd.s32 s30, s2  }
0x11: {  	s10 =	sadd.s32 s31, s2;
	s16 =	sadd.s32 s17, s20;
	s17 =	sadd.s32 s18, s20  }
0x12: {  	s18 =	sadd.s32 s19, s20;
	s19 =	sadd.s32 s21, s20;
	s20 =	sadd.s32 s22, s20  }
0x13: {  	v0 =	vimm.f32 $0.0e+00;
	s21 =	simm.s32 $0x0;
	s5 =	sadd.s32 $0x2E00, s7;
	s7 =	sadd.s32 s28, s2  }
.LBB2_1:
0x14: {  	[tilespmem:s3], [sflag:$0x1] =	stream.linear.gather [hbm4b:s5+s3], $0x4F00, $0x38;
	[tilespmem:$0x1CF00] =	vst v63  }
0x15: {  	s22 =	simm.s32 $0x0;
	s23 =	simm.s32 $0x200  }
.LBB2_2:
0x16: {  	p0 =	sne.s32 s23, $0xFE00;
	[tilespmem:s22+$0x4F70] =	vst v0  }
0x17: {  	[tilespmem:s22+$0x4F00] =	vst v0  }
0x18: {  	[tilespmem:s22+$0x4F10] =	vst v0  }
.Ltmp0:
0x19: {  	[tilespmem:s22+$0x4F20] =	vst v0;
	(pc) =	sbr.rel @p0 .LBB2_2-.Ltmp0, $4  }
0x1a: {  	[tilespmem:s22+$0x4F30] =	vst v0  }
0x1b: {  	[tilespmem:s22+$0x4F40] =	vst v0  }
0x1c: {  	[tilespmem:s22+$0x4F50] =	vst v0  }
0x1d: {  	[tilespmem:s22+$0x4F60] =	vst v0;
	s22 =	sshra.s32 s23, $0x2;
	s23 =	sadd.s32 $0x200, s23  }
0x1e: {  	[tilespmem:s22+$0x4F70] =	vst v0  }
0x1f: {  	[tilespmem:s22+$0x4F00] =	vst v0  }
0x20: {  	[tilespmem:s22+$0x4F10] =	vst v0  }
0x21: {  	[tilespmem:s22+$0x4F20] =	vst v0  }
0x22: {  	[tilespmem:s22+$0x4F30] =	vst v0  }
0x23: {  	[tilespmem:s22+$0x4F40] =	vst v0  }
0x24: {  	[tilespmem:s22+$0x4F50] =	vst v0  }
0x25: {  	[tilespmem:s22+$0x4F60] =	vst v0  }
0x26: {  	[spmem:s6] =	stream.linear.scatter [tilespmem:s12], [sflag:$0x2], $0x4000, $0x38;
	[tilespmem:$0x1CF00] =	vst v63  }
0x27: {  	_ =	swait.ge [sflag:s13], $0x4000  }
0x28: {  	[sflag:s13] =	ssyncset.done $0x0  }
0x29: {  	[sflag:s13] =	ssyncadd.s32 $0xFFFFC000  }
0x2a: {  	[spmem:s7] =	stream.linear.scatter [tilespmem:s12], [sflag:$0x2], $0x4000, $0x38;
	[tilespmem:$0x1CF00] =	vst v63  }
0x2b: {  	_ =	swait.ge [sflag:s13], $0x4000  }
0x2c: {  	[sflag:s13] =	ssyncset.done $0x0  }
0x2d: {  	[sflag:s13] =	ssyncadd.s32 $0xFFFFC000  }
0x2e: {  	[spmem:s8] =	stream.linear.scatter [tilespmem:s12], [sflag:$0x2], $0x4000, $0x38;
	[tilespmem:$0x1CF00] =	vst v63  }
0x2f: {  	_ =	swait.ge [sflag:s13], $0x4000  }
0x30: {  	[sflag:s13] =	ssyncset.done $0x0  }
0x31: {  	[sflag:s13] =	ssyncadd.s32 $0xFFFFC000  }
0x32: {  	[spmem:s9] =	stream.linear.scatter [tilespmem:s12], [sflag:$0x2], $0x4000, $0x38;
	[tilespmem:$0x1CF00] =	vst v63  }
0x33: {  	_ =	swait.ge [sflag:s13], $0x4000  }
0x34: {  	[sflag:s13] =	ssyncset.done $0x0  }
0x35: {  	[sflag:s13] =	ssyncadd.s32 $0xFFFFC000  }
0x36: {  	[spmem:s10] =	stream.linear.scatter [tilespmem:s12], [sflag:$0x2], $0x4000, $0x38;
	[tilespmem:$0x1CF00] =	vst v63  }
0x37: {  	_ =	swait.ge [sflag:s13], $0x4000  }
0x38: {  	[sflag:s13] =	ssyncset.done $0x0  }
0x39: {  	[sflag:s13] =	ssyncadd.s32 $0xFFFFC000  }
0x3a: {  	_ =	swait.ge [sflag:s14], $0x4F00  }
0x3b: {  	[sflag:s14] =	ssyncset.done $0x0  }
0x3c: {  	[sflag:s14] =	ssyncadd.s32 $0xFFFFB100  }
0x3d: {  	s30 =	simm.s32 $0x0;
	[bflag:$0x0] =	sbarrier.arrive $0xFFFF  }
0x3e: {  	[tilespmem:s12], [sflag:$0x1] =	stream.indirect.gather [hbm4b:s4+s15], $0x80, s30, s15, $0xb8;
	[tilespmem:$0x1CF00] =	vst v63  }
0x3f: {  	_ =	swait.ge [sflag:s14], $0x4000  }
0x40: {  	[sflag:s14] =	ssyncset.done $0x0  }
0x41: {  	s31 =	simm.s32 $0x80;
	[sflag:s14] =	ssyncadd.s32 $0xFFFFC000  }
0x42: {  	[spmem:s2] =	stream.indirect.scatter.add.f32 [tilespmem:s12], [sflag:$0x2], $0x80, s31, s15, $0xb8;
	[tilespmem:$0x1CF00] =	vst v63  }
0x43: {  	_ =	swait.ge [sflag:s13], $0x4000  }
0x44: {  	s22 =	simm.s32 $0x400;
	s23 =	simm.s32 $0x800;
	[sflag:s13] =	ssyncset.done $0x0  }
.LBB2_4:
0x45: {  	s24 =	sshra.s32 s22, $0x2  }
0x46: {  	[sflag:s13] =	ssyncadd.s32 $0xFFFFC000;
	s22 =	smov.u32 s23;
	s25 =	sadd.s32 $0x400, s23  }
0x47: {  	[tilespmem:s12], [sflag:$0x1] =	stream.indirect.gather [hbm4b:s4+s15], $0x80, s24, s15, $0xb8;
	[tilespmem:$0x1CF00] =	vst v63  }
0x48: {  	p0 =	sne.s32 s23, $0x13800;
	_ =	swait.ge [sflag:s14], $0x4000  }
.Ltmp1:
0x49: {  	[sflag:s14] =	ssyncset.done $0x0;
	(pc) =	sbr.rel @p0 .LBB2_4-.Ltmp1, $4  }
0x4a: {  	s23 =	sadd.s32 $0x80, s24;
	[sflag:s14] =	ssyncadd.s32 $0xFFFFC000  }
0x4b: {  	[spmem:s2] =	stream.indirect.scatter.add.f32 [tilespmem:s12], [sflag:$0x2], $0x80, s23, s15, $0xb8;
	[tilespmem:$0x1CF00] =	vst v63  }
0x4c: {  	_ =	swait.ge [sflag:s13], $0x4000  }
0x4d: {  	s23 =	smov.u32 s25;
	[sflag:s13] =	ssyncset.done $0x0  }
0x4e: {  	s22 =	sshra.s32 s22, $0x2;
	[sflag:s13] =	ssyncadd.s32 $0xFFFFC000  }
0x4f: {  	[tilespmem:s12], [sflag:$0x1] =	stream.indirect.gather [hbm4b:s4+s15], $0x80, s22, s15, $0xb8;
	[tilespmem:$0x1CF00] =	vst v63  }
0x50: {  	_ =	swait.ge [sflag:s14], $0x4000  }
0x51: {  	[sflag:s14] =	ssyncset.done $0x0  }
0x52: {  	s22 =	sadd.s32 $0x80, s22;
	[sflag:s14] =	ssyncadd.s32 $0xFFFFC000  }
0x53: {  	[spmem:s2] =	stream.indirect.scatter.add.f32 [tilespmem:s12], [sflag:$0x2], $0x80, s22, s15, $0xb8;
	[tilespmem:$0x1CF00] =	vst v63  }
0x54: {  	_ =	swait.ge [sflag:s13], $0x4000  }
0x55: {  	[sflag:s13] =	ssyncset.done $0x0  }
0x56: {  	s26 =	sshll.u32 s0, $0x6;
	[sflag:s13] =	ssyncadd.s32 $0xFFFFC000  }
0x57: {  	s23 =	sshrl.u32 s6, $0x3;
	s22 =	sor.u32 $0x1C02, s26;
	[bflag:$0x0] =	sbarrier.arrive $0xFFFF  }
0x58: {  	[hbm:s16], [sflag:s22] =	dma.local [spmem:s23], $0x800  }
0x59: {  	_ =	swait.ge [sflag:s13], $0x800  }
0x5a: {  	[sflag:s13] =	ssyncset.done $0x0  }
0x5b: {  	s28 =	sshrl.u32 s7, $0x3;
	[sflag:s13] =	ssyncadd.s32 $0xFFFFF800  }
0x5c: {  	[hbm:s17], [sflag:s22] =	dma.local [spmem:s28], $0x800  }
0x5d: {  	_ =	swait.ge [sflag:s13], $0x800  }
0x5e: {  	[sflag:s13] =	ssyncset.done $0x0  }
0x5f: {  	s29 =	sshrl.u32 s8, $0x3;
	[sflag:s13] =	ssyncadd.s32 $0xFFFFF800  }
0x60: {  	[hbm:s18], [sflag:s22] =	dma.local [spmem:s29], $0x800  }
0x61: {  	_ =	swait.ge [sflag:s13], $0x800  }
0x62: {  	[sflag:s13] =	ssyncset.done $0x0  }
0x63: {  	s30 =	sshrl.u32 s9, $0x3;
	[sflag:s13] =	ssyncadd.s32 $0xFFFFF800  }
0x64: {  	[hbm:s19], [sflag:s22] =	dma.local [spmem:s30], $0x800  }
0x65: {  	s21 =	sadd.s32 $0x1, s21;
	_ =	swait.ge [sflag:s13], $0x800  }
0x66: {  	p0 =	sne.s32 s21, s11;
	[sflag:s13] =	ssyncset.done $0x0  }
.Ltmp2:
0x67: {  	s31 =	sshrl.u32 s10, $0x3;
	[sflag:s13] =	ssyncadd.s32 $0xFFFFF800;
	(pc) =	sbr.rel @p0 .LBB2_1-.Ltmp2, $4  }
0x68: {  	[hbm:s20], [sflag:s22] =	dma.local [spmem:s31], $0x800  }
0x69: {  	_ =	swait.ge [sflag:s13], $0x800  }
0x6a: {  	[sflag:s13] =	ssyncset.done $0x0  }
0x6b: {  	[sflag:s13] =	ssyncadd.s32 $0xFFFFF800  }
0x6c: {  	_ =	sfence.sel $0x180000  }
0x6d: {  	[bflag:$0x0] =	sbarrier.arrive $0xFFFF  }
0x6e: {  	p0 =	sne.s32 s0, $0x0;
	_ =	strace $0x9000004A  }
0x6f: {  	s0 =	sadd.s32 @!p0 $0x100000, s1;
	[bflag:$0x2] =	sbarrier.arrive $0xFFFF  }
0x70: {  	[sflag:s0] =	ssyncadd.tile.s32 @!p0 $0x1;
	_ =	shalt  }
.Lfunc_end2:
_tile_overlayer_lowered:
.L_overlay_start_2:
0x71: {  	(tag) =	ssettag $0x2  }
0x72: {  	s0 =	rddreg [dreg:$0x0];
	s2 =	stileid.u32  }
0x73: {  	s1 =	rddreg [dreg:$0x1];
	p0 =	sne.s32 s2, $0x0  }
0x74: {  	s3 =	rddreg [dreg:$0x2];
	[bflag:$0x3] =	sbarrier.arrive $0xFFFF;
	s2 =	simm.s32 @!p0 $0x1C02  }
0x75: {  	[timem:s3], [sflag:s2] =	dma.local @!p0 [hbm:s0], s1  }
0x76: {  	s0 =	simm.s32 @!p0 $0x2  }
0x77: {  	_ =	swait.ge @!p0 [sflag:s0], s1  }
0x78: {  	s1 =	ssub.s32 @!p0 $0x0, s1;
	[sflag:s0] =	ssyncset.done @!p0 $0x0  }
0x79: {  	[sflag:s0] =	ssyncadd.s32 @!p0 s1  }
0x7a: {  	[bflag:$0x3] =	sbarrier.arrive $0xFFFF  }
0x7b: {  	_ =	shalt  }

// kernel: kernel.8.cloned.1.call-start
scs
__scs_entry_jumppad:
0x0: {  	(pc) =	sbr.rel $0x88, $3  }
0x1: {  	(tag) =	ssettag $0x0;
	lr =	simm.s32 $0x1  }
0x2: {  	[smem:$0x3F94] =	sst lr;
	_ =	strace $0xD0000000  }
0x3: {  	_ = 	snop  }
0x4: {  	_ = 	snop  }
0x5: {  	_ = 	snop  }
0x6: {  	_ = 	snop  }
0x7: {  	_ = 	snop  }
__scs_overlays_trampoline_lowered:
0x8: {  	[smem:$0x3FA3] =	sst s0  }
0x9: {  	[smem:$0x3FA4] =	sst s1  }
0xa: {  	[smem:$0x3FA5] =	sst s2  }
0xb: {  	[smem:$0x3FA6] =	sst s3  }
0xc: {  	[smem:$0x3FA7] =	sst s4  }
0xd: {  	[smem:$0x3FA8] =	sst s5  }
0xe: {  	[smem:$0x3FA9] =	sst s6  }
0xf: {  	[smem:$0x3FAA] =	sst s7  }
0x10: {  	[smem:$0x3FAB] =	sst s8  }
0x11: {  	[smem:$0x3FAC] =	sst s9;
	s0 =	simm.s32 @!p0 $0x0  }
0x12: {  	s1 =	sld [smem:$0x3F92];
	s0 =	simm.s32 @p0 $0x1  }
0x13: {  	[smem:$0x3FAD] =	sst s0;
	s0 =	simm.s32 @!p1 $0x0  }
0x14: {  	s2 =	sld [smem:$0x3F91];
	s0 =	simm.s32 @p1 $0x1  }
0x15: {  	[smem:$0x3FAE] =	sst s0;
	s0 =	simm.s32 @!p2 $0x0  }
0x16: {  	s3 =	sld [smem:$0x3FDB];
	s0 =	simm.s32 @p2 $0x1  }
0x17: {  	s4 =	simm.s32 $0x1BF5;
	[smem:$0x3FB0] =	sst s0  }
0x18: {  	s0 =	sld [smem:$0x3F93];
	_ =	swait.ge [sflag:s4], $0x0  }
0x19: {  	s7 =	sld [smem:$0x3F94]  }
0x1a: {  	s8 =	sadd.s32 $0xFFFFE003, lr  }
0x1b: {  	s9 =	sadd.s32 $0xFFFFFEF7, lr;
	s5 =	simm.s32 $0xFFFFFFFF;
	p2 =	slt.u32 s8, $0xFFFFF086  }
0x1c: {  	p1 =	slt.u32 s9, $0xF7A;
	s5 =	simm.s32 @!p2 $0x0  }
0x1d: {  	s5 =	simm.s32 @p1 $0x1;
	p0 =	seq.s32 s7, s2  }
0x1e: {  	s7 =	smul.u32 @!p0 $0xF7A, s2;
	p2 =	seq.s32 @!p0 s5, $0x0  }
0x1f: {  	s9 =	smul.u32 $0xF7A, s1;
	s8 =	simm.s32 @!p0 $0x1BF5;
	p2 =	por !p2, p0  }
0x20: {  	[sflag:s8] =	ssyncset.s32 @!p0 $0xFFFFF086;
	s6 =	sadd.s32 @!p0 s3, s7;
	s7 =	simm.s32 @!p0 $0x108  }
0x21: {  	s3 =	sadd.s32 s3, s9;
	s6 =	sadd.s32 @!p0 $0x88, s6;
	s7 =	simm.s32 @p2 $0x1082  }
0x22: {  	[simem:s7], [sflag:s8] =	dma.local @!p0 [hbm:s6], $0xF7A  }
0x23: {  	s9 =	sor.u32 $0xD0000000, s2;
	s6 =	simm.s32 $0x108;
	_ =	swait.ge @!p0 [sflag:s8], $0x0  }
0x24: {  	s3 =	sadd.s32 $0x88, s3;
	s6 =	simm.s32 @!p1 $0x1082;
	[sflag:s4] =	ssyncset.s32 $0xFFFFF086  }
0x25: {  	[simem:s6], [sflag:s4] =	dma.local [hbm:s3], $0xF7A  }
0x26: {  	[smem:$0x3F94] =	sst s1;
	(tag) =	ssettag s2;
	_ =	strace s9  }
0x27: {  	s1 =	sld [smem:$0x3FA4]  }
0x28: {  	s2 =	sld [smem:$0x3FA5]  }
0x29: {  	s4 =	sld [smem:$0x3FA7]  }
0x2a: {  	p0 =	seq.s32 s5, $0x0;
	s5 =	sld [smem:$0x3FA8]  }
0x2b: {  	s6 =	sld [smem:$0x3FA9]  }
0x2c: {  	s7 =	sld [smem:$0x3FAA]  }
0x2d: {  	s3 =	simm.s32 $0x108;
	s8 =	sld [smem:$0x3FAB]  }
0x2e: {  	s3 =	simm.s32 @!p0 $0x1082;
	s9 =	sld [smem:$0x3FAC]  }
0x2f: {  	lr =	sadd.s32 s0, s3;
	s0 =	sld [smem:$0x3FA3]  }
0x30: {  	s3 =	sld [smem:$0x3FA6]  }
0x31: {  	[smem:$0x3FAF] =	sst s10  }
0x32: {  	s10 =	sld [smem:$0x3FAD];
	_ =	sdelay $0x3  }
0x33: {  	p0 =	seq.s32 s10, $0x1;
	s10 =	sld [smem:$0x3FAF];
	_ =	sdelay $0x3  }
0x34: {  	[smem:$0x3FAF] =	sst s10  }
0x35: {  	s10 =	sld [smem:$0x3FAE];
	_ =	sdelay $0x3  }
0x36: {  	p1 =	seq.s32 s10, $0x1;
	s10 =	sld [smem:$0x3FAF];
	_ =	sdelay $0x3  }
0x37: {  	[smem:$0x3FAF] =	sst s10  }
0x38: {  	s10 =	sld [smem:$0x3FB0]  }
0x39: {  	_ = 	snop;
	(pc) =	sbr.ind lr, $3  }
0x3a: {  	_ = 	snop  }
0x3b: {  	_ = 	snop  }
0x3c: {  	p2 =	seq.s32 s10, $0x1;
	s10 =	sld [smem:$0x3FAF]  }
0x3d: {  	_ =	shalt  }
0x3e: {  	_ =	shalt  }
0x3f: {  	_ =	shalt  }
0x40: {  	_ =	shalt  }
0x41: {  	_ =	shalt  }
0x42: {  	_ =	shalt  }
0x43: {  	_ =	shalt  }
0x44: {  	_ =	shalt  }
0x45: {  	_ =	shalt  }
0x46: {  	_ =	shalt  }
0x47: {  	_ =	shalt  }
0x48: {  	_ =	shalt  }
0x49: {  	_ =	shalt  }
0x4a: {  	_ =	shalt  }
0x4b: {  	_ =	shalt  }
0x4c: {  	_ =	shalt  }
0x4d: {  	_ =	shalt  }
0x4e: {  	_ =	shalt  }
0x4f: {  	_ =	shalt  }
0x50: {  	_ =	shalt  }
0x51: {  	_ =	shalt  }
0x52: {  	_ =	shalt  }
0x53: {  	_ =	shalt  }
0x54: {  	_ =	shalt  }
0x55: {  	_ =	shalt  }
0x56: {  	_ =	shalt  }
0x57: {  	_ =	shalt  }
0x58: {  	_ =	shalt  }
0x59: {  	_ =	shalt  }
0x5a: {  	_ =	shalt  }
0x5b: {  	_ =	shalt  }
0x5c: {  	_ =	shalt  }
0x5d: {  	_ =	shalt  }
0x5e: {  	_ =	shalt  }
0x5f: {  	_ =	shalt  }
0x60: {  	_ =	shalt  }
0x61: {  	_ =	shalt  }
0x62: {  	_ =	shalt  }
0x63: {  	_ =	shalt  }
0x64: {  	_ =	shalt  }
0x65: {  	_ =	shalt  }
0x66: {  	_ =	shalt  }
0x67: {  	_ =	shalt  }
0x68: {  	_ =	shalt  }
0x69: {  	_ =	shalt  }
0x6a: {  	_ =	shalt  }
0x6b: {  	_ =	shalt  }
0x6c: {  	_ =	shalt  }
0x6d: {  	_ =	shalt  }
0x6e: {  	_ =	shalt  }
0x6f: {  	_ =	shalt  }
0x70: {  	_ =	shalt  }
0x71: {  	_ =	shalt  }
0x72: {  	_ =	shalt  }
0x73: {  	_ =	shalt  }
0x74: {  	_ =	shalt  }
0x75: {  	_ =	shalt  }
0x76: {  	_ =	shalt  }
0x77: {  	_ =	shalt  }
0x78: {  	_ =	shalt  }
0x79: {  	_ =	shalt  }
0x7a: {  	_ =	shalt  }
0x7b: {  	_ =	shalt  }
0x7c: {  	_ =	shalt  }
0x7d: {  	_ =	shalt  }
0x7e: {  	_ =	shalt  }
0x7f: {  	_ =	shalt  }
0x80: {  	_ =	shalt  }
0x81: {  	_ =	shalt  }
0x82: {  	_ =	shalt  }
0x83: {  	_ =	shalt  }
0x84: {  	_ =	shalt  }
0x85: {  	_ =	shalt  }
0x86: {  	_ =	shalt  }
0x87: {  	_ =	shalt  }
.Lfunc_end0:
.L_simem_size_0:
called_computation_lowered:
.L_overlay_start_0:
0x88: {  	s2 =	sld [smem:$0x3FD9]  }
0x89: {  	s3 =	sld [smem:$0x3FFE];
	_ =	sdelay $0x1  }
0x8a: {  	s1 =	srdreg.scid  }
0x8b: {  	s0 =	sand.u32 $0x1, s1  }
0x8c: {  	s16 =	sshll.u32 s0, $0xA;
	s2 =	sadd.s32 s3, s2  }
0x8d: {  	s2 =	sadd.s32 s2, s16  }
0x8e: {  	[smem:$0x3FBB] =	sst s2  }
0x8f: {  	_ = 	snop  }
0x90: {  	(tm) =	ssettm $0x1  }
0x91: {  	s17 =	sld [smem:$0x3FFB];
	_ =	sdelay $0x3  }
0x92: {  	_ =	strace s17  }
0x93: {  	s2 =	sld [smem:$0x3FFC];
	_ =	sdelay $0x3  }
0x94: {  	_ =	strace s2  }
0x95: {  	s2 =	sld [smem:$0x3FFD];
	_ =	sdelay $0x3  }
0x96: {  	_ =	strace s2  }
0x97: {  	_ =	strace $0x8FFFFFFF  }
0x98: {  	s18 =	sld [smem:$0x3FDB];
	_ =	sdelay $0x1  }
0x99: {  	s19 =	simm.s32 $_scs_section_size  }
0x9a: {  	s4 =	simm.s32 $_size__tile_overlayer_lowered;
	s5 =	simm.s32 $_tile_overlayer_lowered  }
0x9b: {  	s22 =	simm.s32 $0x1BFF;
	s21 =	sshll.u32 s5, $0x1;
	s2 =	sadd.s32 s19, s18  }
0x9c: {  	s6 =	simm.s32 $0x0;
	s20 =	sshll.u32 s4, $0x1;
	s4 =	sadd.s32 s21, s2  }
0x9d: {  	[timem:s6], [sflag:s22] =	dma.local [hbm:s4], s20  }
0x9e: {  	_ =	swait.ge [sflag:s22], s20  }
0x9f: {  	s3 =	ssub.s32 $0x0, s20;
	[sflag:s22] =	ssyncset.done $0x0  }
0xa0: {  	[sflag:s22] =	ssyncadd.s32 s3;
	_ =	sdelay $0x1  }
0xa1: {  	s23 =	simm.s32 $0x1B8B  }
0xa2: {  	_ =	swait.ge [sflag:s23], $0x1  }
0xa3: {  	[sflag:s23] =	ssyncset.done $0x0  }
0xa4: {  	s25 =	simm.s32 $0x1B8E;
	s24 =	sld [smem:$0x3FFE];
	[sflag:s23] =	ssyncadd.s32 $0xFFFFFFFF  }
0xa5: {  	s26 =	simm.s32 $execute0_lowered;
	[smem:$0x3FD2] =	sst s25  }
0xa6: {  	s4 =	sshll.u32 s26, $0x1;
	_ =	strace $0x80000046;
	[dreg:$0x1] =	wrdreg $0xFFFFFFFF  }
0xa7: {  	s28 =	simm.s32 $_size_execute0_lowered;
	s2 =	sadd.s32 s2, s4;
	[dreg:$0x0] =	wrdreg $0x0  }
0xa8: {  	s4 =	sshll.u32 s28, $0x1;
	[dreg:$0x2] =	wrdreg s2  }
0xa9: {  	[dreg:$0x3] =	wrdreg s4  }
0xaa: {  	[dreg:$0x4] =	wrdreg $0xC0  }
0xab: {  	_ =	task [dreg:s6], $0x5FFFF  }
0xac: {  	[dreg:$0x1] =	wrdreg $0xFFFFFFFF  }
0xad: {  	[dreg:$0x0] =	wrdreg $0x60  }
0xae: {  	[dreg:$0x2] =	wrdreg s24  }
0xaf: {  	[dreg:$0x3] =	wrdreg $0x8F000  }
0xb0: {  	[dreg:$0x4] =	wrdreg $0x9  }
0xb1: {  	_ =	task.clear_ibuf [dreg:s6], $0x5FFFF;
	_ =	strace $0x90000046  }
0xb2: {  	s29 =	simm.s32 $0x9;
	_ =	strace $0x80000048  }
0xb3: {  	_ =	swait.ge [sflag:s29], $0x1  }
0xb4: {  	[sflag:s29] =	ssyncadd.s32 $0xFFFFFFFF  }
0xb5: {  	_ =	strace $0x90000048  }
0xb6: {  	_ =	sfence  }
0xb7: {  	s30 =	sld [smem:$0x0];
	_ =	sdelay $0x2  }
0xb8: {  	s31 =	sshll.u32 s1, $0xD;
	s1 =	sshrl.u32 s1, $0x2  }
0xb9: {  	s3 =	sand.u32 $0x4000, s31;
	s1 =	sadd.s32 s1, s30  }
0xba: {  	s0 =	sor.u32 s3, s0;
	s1 =	sshll.u32 s1, $0x11  }
0xbb: {  	s0 =	sor.u32 s1, s0  }
0xbc: {  	s0 =	sadd.s32 $0x8F2B, s0  }
0xbd: {  	[sflag:s0] =	ssyncadd.remote.s32 $0x1  }
0xbe: {  	_ =	sfence.sel $0xFFFF  }
0xbf: {  	[dreg:$0x0] =	wrdreg $0xFFFFFFFF;
	(pc) =	sbr.abs _section_cstart, $3  }
0xc0: {  	[dreg:$0x1] =	wrdreg $0xFFFFFFFF  }
0xc1: {  	_ =	task.clear_ibuf [dreg:s6], $0x2FFFF;
	_ =	strace $0x9FFFFFFF  }
0xc2: {  	(tm) =	ssettm $0x7FFFFFFF  }
0xc3: {  	_ =	shalt  }
tec
execute0_lowered:
.L_overlay_start_1:
0x0: {  	(tag) =	ssettag $0x1  }
0x1: {  	s0 =	srdreg.scid;
	s6 =	rddreg [dreg:$0x0]  }
0x2: {  	s2 =	rddreg [dreg:$0x1];
	s5 =	sand.u32 $0x1, s0  }
0x3: {  	s3 =	simm.s32 $0x0;
	s0 =	stileid.u32;
	s9 =	smul.u32 $0x28000, s5  }
0x4: {  	[smem:$0x7FF] =	sst s3;
	s10 =	smul.u32 $0x280, s0  }
0x5: {  	s4 =	sadd.s32 $0x16A00, s6;
	s1 =	sshll.u32 s5, $0x4;
	s12 =	smul.u32 $0x50000, s0  }
0x6: {  	s5 =	ssub.s32 $0x2, s5;
	s18 =	smul.u32 $0x2800, s0;
	s7 =	sor.u32 s0, s1  }
0x7: {  	s1 =	rddreg [dreg:$0x2];
	_ =	strace $0x80000047;
	s8 =	smul.u32 $0x9E0, s7  }
0x8: {  	s25 =	sshrl.u32 s5, $0x1;
	s7 =	smul.u32 $0x500, s7;
	s11 =	sadd.s32 s9, s6  }
0x9: {  	s14 =	ssub.s32 s5, s25;
	s15 =	sadd.s32 $0x80, s10;
	s26 =	sshrl.u32 s12, $0x2  }
0xa: {  	s29 =	sadd.s32 $0x100, s10;
	s16 =	sadd.s32 $0x180, s10;
	s17 =	sadd.s32 $0x200, s10  }
0xb: {  	s28 =	sshll.u32 s15, $0x7;
	s30 =	sshll.u32 s29, $0x7;
	s31 =	sshll.u32 s16, $0x7  }
0xc: {  	s10 =	sshll.u32 s17, $0x7;
	s22 =	sadd.s32 $0x47C00, s11;
	s19 =	sshll.u32 s15, $0x4  }
0xd: {  	s20 =	sshll.u32 s29, $0x4;
	s21 =	sshll.u32 s16, $0x4;
	s23 =	sshll.u32 s17, $0x4  }
0xe: {  	s12 =	smax.u32 s14, $0x1;
	s14 =	simm.s32 $0x2;
	s15 =	simm.s32 $0x1  }
0xf: {  	s16 =	simm.s32 $0x80;
	s17 =	simm.s32 $0x1CF00;
	s8 =	sadd.s32 s8, s6  }
0x10: {  	s13 =	sadd.s32 s7, s6;
	s6 =	sadd.s32 s26, s2;
	s7 =	sadd.s32 s28, s2  }
0x11: {  	s9 =	sadd.s32 s31, s2;
	s10 =	sadd.s32 s10, s2;
	s18 =	sadd.s32 s18, s22  }
0x12: {  	s19 =	sadd.s32 s19, s22;
	s20 =	sadd.s32 s20, s22;
	s21 =	sadd.s32 s21, s22  }
0x13: {  	s22 =	sadd.s32 s23, s22;
	s23 =	simm.s32 $0x0;
	s5 =	sadd.s32 $0x2E00, s8  }
0x14: {  	v0 =	vimm.f32 $0.0e+00;
	s8 =	sadd.s32 s30, s2;
	s11 =	sadd.s32 $0x3DC00, s13;
	s13 =	simm.s32 $0x4F00  }
.LBB2_1:
0x15: {  	[tilespmem:s3], [sflag:$0x1] =	stream.linear.gather [hbm4b:s5+s3], $0x4F00, $0x38;
	[tilespmem:$0x1F700] =	vst v63  }
0x16: {  	s24 =	simm.s32 $0x0;
	s25 =	simm.s32 $0x200  }
.LBB2_2:
0x17: {  	p0 =	sne.s32 s25, $0xFE00;
	[tilespmem:s24+$0x4F70] =	vst v0  }
0x18: {  	[tilespmem:s24+$0x4F00] =	vst v0  }
0x19: {  	[tilespmem:s24+$0x4F10] =	vst v0  }
.Ltmp0:
0x1a: {  	[tilespmem:s24+$0x4F20] =	vst v0;
	(pc) =	sbr.rel @p0 .LBB2_2-.Ltmp0, $4  }
0x1b: {  	[tilespmem:s24+$0x4F30] =	vst v0  }
0x1c: {  	[tilespmem:s24+$0x4F40] =	vst v0  }
0x1d: {  	[tilespmem:s24+$0x4F50] =	vst v0  }
0x1e: {  	[tilespmem:s24+$0x4F60] =	vst v0;
	s24 =	sshra.s32 s25, $0x2;
	s25 =	sadd.s32 $0x200, s25  }
0x1f: {  	[tilespmem:s24+$0x4F70] =	vst v0  }
0x20: {  	[tilespmem:s24+$0x4F00] =	vst v0  }
0x21: {  	[tilespmem:s24+$0x4F10] =	vst v0  }
0x22: {  	[tilespmem:s24+$0x4F20] =	vst v0  }
0x23: {  	[tilespmem:s24+$0x4F30] =	vst v0  }
0x24: {  	[tilespmem:s24+$0x4F40] =	vst v0  }
0x25: {  	[tilespmem:s24+$0x4F50] =	vst v0  }
0x26: {  	[tilespmem:s24+$0x4F60] =	vst v0;
	s24 =	simm.s32 $0x40;
	s25 =	simm.s32 $0x0  }
.LBB2_4:
0x27: {  	p0 =	sne.s32 s24, $0x9FC0;
	[tilespmem:s25+$0x1CF00] =	vst v0;
	s25 =	smov.u32 s24;
	s24 =	sadd.s32 $0x40, s24  }
.Ltmp1:
0x28: {  	(pc) =	sbr.rel @p0 .LBB2_4-.Ltmp1, $2  }
0x29: {  	_ =	sdelay $0x2  }
0x2a: {  	s25 =	sshra.s32 s25, $0x2  }
0x2b: {  	[tilespmem:s25+$0x1CF00] =	vst v0  }
0x2c: {  	[spmem:s6] =	stream.linear.scatter [tilespmem:s13], [sflag:$0x2], $0x4000, $0x38;
	[tilespmem:$0x1F700] =	vst v63  }
0x2d: {  	_ =	swait.ge [sflag:s14], $0x4000  }
0x2e: {  	[sflag:s14] =	ssyncset.done $0x0  }
0x2f: {  	[sflag:s14] =	ssyncadd.s32 $0xFFFFC000  }
0x30: {  	[spmem:s7] =	stream.linear.scatter [tilespmem:s13], [sflag:$0x2], $0x4000, $0x38;
	[tilespmem:$0x1F700] =	vst v63  }
0x31: {  	_ =	swait.ge [sflag:s14], $0x4000  }
0x32: {  	[sflag:s14] =	ssyncset.done $0x0  }
0x33: {  	[sflag:s14] =	ssyncadd.s32 $0xFFFFC000  }
0x34: {  	[spmem:s8] =	stream.linear.scatter [tilespmem:s13], [sflag:$0x2], $0x4000, $0x38;
	[tilespmem:$0x1F700] =	vst v63  }
0x35: {  	_ =	swait.ge [sflag:s14], $0x4000  }
0x36: {  	[sflag:s14] =	ssyncset.done $0x0  }
0x37: {  	[sflag:s14] =	ssyncadd.s32 $0xFFFFC000  }
0x38: {  	[spmem:s9] =	stream.linear.scatter [tilespmem:s13], [sflag:$0x2], $0x4000, $0x38;
	[tilespmem:$0x1F700] =	vst v63  }
0x39: {  	_ =	swait.ge [sflag:s14], $0x4000  }
0x3a: {  	[sflag:s14] =	ssyncset.done $0x0  }
0x3b: {  	[sflag:s14] =	ssyncadd.s32 $0xFFFFC000  }
0x3c: {  	[spmem:s10] =	stream.linear.scatter [tilespmem:s13], [sflag:$0x2], $0x4000, $0x38;
	[tilespmem:$0x1F700] =	vst v63  }
0x3d: {  	_ =	swait.ge [sflag:s14], $0x4000  }
0x3e: {  	[sflag:s14] =	ssyncset.done $0x0  }
0x3f: {  	[sflag:s14] =	ssyncadd.s32 $0xFFFFC000  }
0x40: {  	_ =	swait.ge [sflag:s15], $0x4F00  }
0x41: {  	[sflag:s15] =	ssyncset.done $0x0  }
0x42: {  	[sflag:s15] =	ssyncadd.s32 $0xFFFFB100  }
0x43: {  	s24 =	simm.s32 $0x0;
	[bflag:$0x0] =	sbarrier.arrive $0xFFFF  }
.LBB2_6:
0x44: {  	s25 =	sshra.s32 s24, $0x2  }
0x45: {  	[tilespmem:s13], [sflag:$0x1] =	stream.indirect.gather [hbm4b:s4+s16], $0x80, s25, s16, $0xb8;
	[tilespmem:$0x1F700] =	vst v63  }
0x46: {  	v1 =	vld [tilespmem:s25+$0x80];
	_ =	sdelay $0x4  }
0x47: {  	(xrf1) =	vunique.msk.u32 $0xffff, v1;
	_ =	sdelay $0xd  }
0x48: {  	_, v2, vm0 =	vpop (xrf1);
	_ =	sdelay $0x3  }
0x49: {  	v2 =	vcvt.s32.f32 v2;
	_ =	sdelay $0x1  }
0x4a: {  	[tilespmem:v1+s17+$0x0] =	vst.idx.add.f32.msk vm0, v2  }
0x4b: {  	v1 =	vld [tilespmem:s25+$0x90];
	_ =	sdelay $0x4  }
0x4c: {  	(xrf1) =	vunique.msk.u32 $0xffff, v1;
	_ =	sdelay $0xd  }
0x4d: {  	_, v2, vm0 =	vpop (xrf1);
	_ =	sdelay $0x3  }
0x4e: {  	v2 =	vcvt.s32.f32 v2;
	_ =	sdelay $0x1  }
0x4f: {  	[tilespmem:v1+s17+$0x0] =	vst.idx.add.f32.msk vm0, v2  }
0x50: {  	v1 =	vld [tilespmem:s25+$0xA0];
	_ =	sdelay $0x4  }
0x51: {  	(xrf1) =	vunique.msk.u32 $0xffff, v1;
	_ =	sdelay $0xd  }
0x52: {  	_, v2, vm0 =	vpop (xrf1);
	_ =	sdelay $0x3  }
0x53: {  	v2 =	vcvt.s32.f32 v2;
	_ =	sdelay $0x1  }
0x54: {  	[tilespmem:v1+s17+$0x0] =	vst.idx.add.f32.msk vm0, v2  }
0x55: {  	v1 =	vld [tilespmem:s25+$0xB0];
	_ =	sdelay $0x4  }
0x56: {  	(xrf1) =	vunique.msk.u32 $0xffff, v1;
	_ =	sdelay $0xd  }
0x57: {  	_, v2, vm0 =	vpop (xrf1);
	_ =	sdelay $0x3  }
0x58: {  	v2 =	vcvt.s32.f32 v2;
	_ =	sdelay $0x1  }
0x59: {  	[tilespmem:v1+s17+$0x0] =	vst.idx.add.f32.msk vm0, v2  }
0x5a: {  	v1 =	vld [tilespmem:s25+$0xC0];
	_ =	sdelay $0x4  }
0x5b: {  	(xrf1) =	vunique.msk.u32 $0xffff, v1;
	_ =	sdelay $0xd  }
0x5c: {  	_, v2, vm0 =	vpop (xrf1);
	_ =	sdelay $0x3  }
0x5d: {  	v2 =	vcvt.s32.f32 v2;
	_ =	sdelay $0x1  }
0x5e: {  	[tilespmem:v1+s17+$0x0] =	vst.idx.add.f32.msk vm0, v2  }
0x5f: {  	v1 =	vld [tilespmem:s25+$0xD0];
	_ =	sdelay $0x4  }
0x60: {  	(xrf1) =	vunique.msk.u32 $0xffff, v1;
	_ =	sdelay $0xd  }
0x61: {  	_, v2, vm0 =	vpop (xrf1);
	_ =	sdelay $0x3  }
0x62: {  	v2 =	vcvt.s32.f32 v2;
	_ =	sdelay $0x1  }
0x63: {  	[tilespmem:v1+s17+$0x0] =	vst.idx.add.f32.msk vm0, v2  }
0x64: {  	v1 =	vld [tilespmem:s25+$0xE0];
	_ =	sdelay $0x4  }
0x65: {  	(xrf1) =	vunique.msk.u32 $0xffff, v1;
	_ =	sdelay $0xd  }
0x66: {  	_, v2, vm0 =	vpop (xrf1);
	_ =	sdelay $0x3  }
0x67: {  	v2 =	vcvt.s32.f32 v2;
	_ =	sdelay $0x1  }
0x68: {  	[tilespmem:v1+s17+$0x0] =	vst.idx.add.f32.msk vm0, v2  }
0x69: {  	v1 =	vld [tilespmem:s25+$0xF0];
	_ =	sdelay $0x4  }
0x6a: {  	(xrf1) =	vunique.msk.u32 $0xffff, v1;
	_ =	sdelay $0xd  }
0x6b: {  	_, v2, vm0 =	vpop (xrf1);
	_ =	sdelay $0x3  }
0x6c: {  	v2 =	vcvt.s32.f32 v2;
	_ =	sdelay $0x1  }
0x6d: {  	[tilespmem:v1+s17+$0x0] =	vst.idx.add.f32.msk vm0, v2  }
0x6e: {  	_ =	swait.ge [sflag:s15], $0x4000  }
0x6f: {  	p0 =	sne.s32 s24, $0x13800;
	[sflag:s15] =	ssyncset.done $0x0  }
.Ltmp2:
0x70: {  	s25 =	sadd.s32 $0x80, s25;
	[sflag:s15] =	ssyncadd.s32 $0xFFFFC000;
	(pc) =	sbr.rel @p0 .LBB2_6-.Ltmp2, $4  }
0x71: {  	[spmem:s2] =	stream.indirect.scatter.add.f32 [tilespmem:s13], [sflag:$0x2], $0x80, s25, s16, $0xb8;
	[tilespmem:$0x1F700] =	vst v63  }
0x72: {  	_ =	swait.ge [sflag:s14], $0x4000  }
0x73: {  	[sflag:s14] =	ssyncset.done $0x0  }
0x74: {  	s24 =	sadd.s32 $0x400, s24;
	[sflag:s14] =	ssyncadd.s32 $0xFFFFC000  }
0x75: {  	s24 =	sshll.u32 s0, $0x6  }
0x76: {  	[bflag:$0x0] =	sbarrier.arrive $0xFFFF;
	s25 =	sshrl.u32 s6, $0x3;
	s24 =	sor.u32 $0x1C02, s24  }
0x77: {  	[hbm:s18], [sflag:s24] =	dma.local [spmem:s25], $0x800  }
0x78: {  	_ =	swait.ge [sflag:s14], $0x800  }
0x79: {  	[sflag:s14] =	ssyncset.done $0x0  }
0x7a: {  	s28 =	sshrl.u32 s7, $0x3;
	[sflag:s14] =	ssyncadd.s32 $0xFFFFF800  }
0x7b: {  	[hbm:s19], [sflag:s24] =	dma.local [spmem:s28], $0x800  }
0x7c: {  	_ =	swait.ge [sflag:s14], $0x800  }
0x7d: {  	[sflag:s14] =	ssyncset.done $0x0  }
0x7e: {  	s29 =	sshrl.u32 s8, $0x3;
	[sflag:s14] =	ssyncadd.s32 $0xFFFFF800  }
0x7f: {  	[hbm:s20], [sflag:s24] =	dma.local [spmem:s29], $0x800  }
0x80: {  	_ =	swait.ge [sflag:s14], $0x800  }
0x81: {  	[sflag:s14] =	ssyncset.done $0x0  }
0x82: {  	s30 =	sshrl.u32 s9, $0x3;
	[sflag:s14] =	ssyncadd.s32 $0xFFFFF800  }
0x83: {  	[hbm:s21], [sflag:s24] =	dma.local [spmem:s30], $0x800  }
0x84: {  	_ =	swait.ge [sflag:s14], $0x800  }
0x85: {  	[sflag:s14] =	ssyncset.done $0x0  }
0x86: {  	s31 =	sshrl.u32 s10, $0x3;
	[sflag:s14] =	ssyncadd.s32 $0xFFFFF800  }
0x87: {  	[hbm:s22], [sflag:s24] =	dma.local [spmem:s31], $0x800  }
0x88: {  	s23 =	sadd.s32 $0x1, s23;
	_ =	swait.ge [sflag:s14], $0x800  }
0x89: {  	p0 =	sne.s32 s23, s12;
	[sflag:s14] =	ssyncset.done $0x0  }
.Ltmp3:
0x8a: {  	[sflag:s14] =	ssyncadd.s32 $0xFFFFF800;
	(pc) =	sbr.rel @p0 .LBB2_1-.Ltmp3, $4  }
0x8b: {  	[hbm4b:s11+s3] =	stream.linear.scatter [tilespmem:s17], [sflag:$0x2], $0x2800, $0x38;
	[tilespmem:$0x1F700] =	vst v63  }
0x8c: {  	_ =	swait.ge [sflag:s14], $0x2800  }
0x8d: {  	[sflag:s14] =	ssyncset.done $0x0  }
0x8e: {  	[sflag:s14] =	ssyncadd.s32 $0xFFFFD800  }
0x8f: {  	_ =	sfence.sel $0x180000  }
0x90: {  	[bflag:$0x0] =	sbarrier.arrive $0xFFFF  }
0x91: {  	p0 =	sne.s32 s0, $0x0;
	_ =	strace $0x90000047  }
0x92: {  	s0 =	sadd.s32 @!p0 $0x100000, s1;
	[bflag:$0x2] =	sbarrier.arrive $0xFFFF  }
0x93: {  	[sflag:s0] =	ssyncadd.tile.s32 @!p0 $0x1;
	_ =	shalt  }
.Lfunc_end2:
_tile_overlayer_lowered:
.L_overlay_start_2:
0x94: {  	(tag) =	ssettag $0x2  }
0x95: {  	s0 =	rddreg [dreg:$0x0];
	s2 =	stileid.u32  }
0x96: {  	s1 =	rddreg [dreg:$0x1];
	p0 =	sne.s32 s2, $0x0  }
0x97: {  	s3 =	rddreg [dreg:$0x2];
	[bflag:$0x3] =	sbarrier.arrive $0xFFFF;
	s2 =	simm.s32 @!p0 $0x1C02  }
0x98: {  	[timem:s3], [sflag:s2] =	dma.local @!p0 [hbm:s0], s1  }
0x99: {  	s0 =	simm.s32 @!p0 $0x2  }
0x9a: {  	_ =	swait.ge @!p0 [sflag:s0], s1  }
0x9b: {  	s1 =	ssub.s32 @!p0 $0x0, s1;
	[sflag:s0] =	ssyncset.done @!p0 $0x0  }
0x9c: {  	[sflag:s0] =	ssyncadd.s32 @!p0 s1  }
0x9d: {  	[bflag:$0x3] =	sbarrier.arrive $0xFFFF  }
0x9e: {  	_ =	shalt  }

</sc_bundles>
